<compile_context>
chip_gen: v7x
topology: tpu7x:2x2x1
jax: 0.10.2.dev20260603
libtpu: 0.0.44.dev20260713+nightly
codegen_flags: <defaults>
</compile_context>

<pallas_src>
import jax
import jax.numpy as jnp
from jax import lax
from jax.experimental import pallas as pl
from jax.experimental.pallas import tpu as pltpu
from jax.experimental.pallas import tpu_sc as plsc

B, S, D = 4, 4096, 1024
H = S // 2
NSUB = 32
RCHUNKS = NSUB // B
RPS = H // RCHUNKS
C = 8
NBUF = 4
NCH = RPS // C
NG = NCH // NBUF


def _shuffle_body(mem_in, out, buf0, buf1, buf2, buf3,
                  sin0, sin1, sin2, sin3, sout0, sout1, sout2, sout3):
    mem_hbm = mem_in.reshape(B, 2, H, D)
    nc = 2
    wid = lax.axis_index("s") * nc + lax.axis_index("c")
    b = wid % B
    r0 = (wid // B) * RPS

    bufs = (buf0, buf1, buf2, buf3)
    sin = (sin0, sin1, sin2, sin3)
    sout = (sout0, sout1, sout2, sout3)

    def start_in(j, c):
        k = r0 + c * C
        pltpu.async_copy(mem_hbm.at[b, 0, pl.ds(k, C), :],
                         bufs[j].at[:, 0, :], sin[j])
        pltpu.async_copy(mem_hbm.at[b, 1, pl.ds(k, C), :],
                         bufs[j].at[:, 1, :], sin[j])

    def wait_in(j):
        pltpu.make_async_copy(mem_hbm.at[b, 0, pl.ds(r0, C), :],
                              bufs[j].at[:, 0, :], sin[j]).wait()
        pltpu.make_async_copy(mem_hbm.at[b, 1, pl.ds(r0, C), :],
                              bufs[j].at[:, 1, :], sin[j]).wait()

    def start_out(j, c):
        k = r0 + c * C
        pltpu.async_copy(bufs[j].reshape(2 * C, D),
                         out.at[b, pl.ds(2 * k, 2 * C), :], sout[j])

    def wait_out(j):
        pltpu.make_async_copy(bufs[j].reshape(2 * C, D),
                              out.at[b, pl.ds(2 * r0, 2 * C), :],
                              sout[j]).wait()

    for j in range(NBUF - 1):
        start_in(j, j)

    def ring_round(i, carry):
        for jj in range(NBUF):
            c = i * NBUF + jj
            jw = (jj + NBUF - 1) % NBUF

            @pl.when(c >= 1)
            def _():
                wait_out(jw)

            @pl.when(c + NBUF - 1 < NCH)
            def _():
                start_in(jw, c + NBUF - 1)

            wait_in(jj)
            start_out(jj, c)
        return carry

    lax.fori_loop(0, NG, ring_round, 0)
    wait_out((NCH - 1) % NBUF)


def kernel(mem):
    return pl.kernel(
        _shuffle_body,
        out_type=jax.ShapeDtypeStruct((B, S, D), jnp.float32),
        mesh=plsc.VectorSubcoreMesh(core_axis_name="c", subcore_axis_name="s"),
        scratch_types=(
            [pltpu.VMEM((C, 2, D), jnp.float32)] * NBUF
            + [pltpu.SemaphoreType.DMA] * (2 * NBUF)
        ),
    )(mem)

# --- scband reference (transcript-rebuilt; emitter-appended) ---
"""Pipeline reference for scband-shuffle-layer-66932770341342 (READ-ONLY COPY).

The authoritative reference and input builder live on the scoring server;
editing this copy changes nothing except your own understanding.
"""

import jax, jax.numpy as jnp
import numpy as np

DO_ROR = True

def _rev_indices(length, do_ror):
    rev_indices_rol = [x * 2 % length for x in range((length + 1) // 2)] + [(x * 2 + 1) % length for x in range(length // 2)]
    if do_ror:
        rev_indices_ror = [-1 for _ in range(length)]
        for x in range(length):
            rev_indices_ror[rev_indices_rol[x]] = x
        return np.array(rev_indices_ror, dtype=np.int32)
    return np.array(rev_indices_rol, dtype=np.int32)

def setup_inputs(seed: int = 0) -> dict:
    key = jax.random.key(seed)
    mem = jax.random.normal(key, (4, 4096, 1024), dtype=jnp.float32)
    return {"mem": mem}

def reference(mem):
    idx = jnp.asarray(_rev_indices(mem.shape[1], DO_ROR))
    return jnp.take(mem, idx, axis=1)

if __name__ == "__main__":
    import jax
    _d = setup_inputs()
    print(jax.jit(kernel)(*tuple(_d.values())))

</pallas_src>

<mosaic_0001>
#map = affine_map<(d0, d1) -> (0, 0, 0)>
module attributes {stable_mosaic.version = 14 : i64} {
  func.func @_shuffle_body(%arg0: i32, %arg1: i32, %arg2: memref<4x4096x1024xf32, #tpu.memory_space<hbm>>, %arg3: memref<4x4096x1024xf32, #tpu.memory_space<hbm>>, %arg4: memref<8x2x1024xf32, #tpu.memory_space<vmem>>, %arg5: memref<8x2x1024xf32, #tpu.memory_space<vmem>>, %arg6: memref<8x2x1024xf32, #tpu.memory_space<vmem>>, %arg7: memref<8x2x1024xf32, #tpu.memory_space<vmem>>, %arg8: memref<!tpu.dma_semaphore, #tpu.memory_space<semaphore_mem>>, %arg9: memref<!tpu.dma_semaphore, #tpu.memory_space<semaphore_mem>>, %arg10: memref<!tpu.dma_semaphore, #tpu.memory_space<semaphore_mem>>, %arg11: memref<!tpu.dma_semaphore, #tpu.memory_space<semaphore_mem>>, %arg12: memref<!tpu.dma_semaphore, #tpu.memory_space<semaphore_mem>>, %arg13: memref<!tpu.dma_semaphore, #tpu.memory_space<semaphore_mem>>, %arg14: memref<!tpu.dma_semaphore, #tpu.memory_space<semaphore_mem>>, %arg15: memref<!tpu.dma_semaphore, #tpu.memory_space<semaphore_mem>>) attributes {dimension_semantics = [#tpu.dimension_semantics<core_parallel>, #tpu.dimension_semantics<subcore_parallel>], iteration_bounds = array<i64: 2, 16>, scalar_prefetch = 0 : i64, scratch_operands = 12 : i64, tpu.core_type = #tpu.core_type<sc_vector_subcore>, window_params = [{transform_indices = #map}, {transform_indices = #map}]} {
    %mul3A = arith.constant 2 : i32
    %mul3A_0 = arith.muli %arg1, %mul3A : i32
    %add3A = arith.addi %mul3A_0, %arg0 : i32
    %jit3A = arith.constant 4 : i32
    %eq3A = arith.constant 0 : i32
    %eq3A_1 = arith.cmpi eq, %jit3A, %eq3A : i32
    %jit3A_2 = arith.constant 1 : i32
    %select_n3A = arith.select %eq3A_1, %jit3A_2, %jit3A : i32
    %rem3A = arith.remsi %add3A, %select_n3A : i32
    %ne3A = arith.constant 0 : i32
    %ne3A_3 = arith.cmpi ne, %rem3A, %ne3A : i32
    %lt3A = arith.constant 0 : i32
    %lt3A_4 = arith.cmpi slt, %rem3A, %lt3A : i32
    %lt3A_5 = arith.constant 0 : i32
    %lt3A_6 = arith.cmpi slt, %select_n3A, %lt3A_5 : i32
    %ne3A_7 = arith.xori %lt3A_4, %lt3A_6 : i1
    %and3A = arith.andi %ne3A_7, %ne3A_3 : i1
    %add3A_8 = arith.addi %rem3A, %select_n3A : i32
    %select_n3A_9 = arith.select %and3A, %add3A_8, %rem3A : i32
    %jit3A_10 = arith.constant 4 : i32
    %div3A = arith.divsi %add3A, %jit3A_10 : i32
    %sign3A = arith.constant 0 : i32
    %sign3A_11 = arith.cmpi sgt, %add3A, %sign3A : i32
    %sign3A_12 = arith.extui %sign3A_11 : i1 to i32
    %sign3A_13 = arith.constant 0 : i32
    %sign3A_14 = arith.cmpi slt, %add3A, %sign3A_13 : i32
    %sign3A_15 = arith.extui %sign3A_14 : i1 to i32
    %sign3A_16 = arith.subi %sign3A_12, %sign3A_15 : i32
    %sign3A_17 = arith.constant 0 : i32
    %sign3A_18 = arith.cmpi sgt, %jit3A_10, %sign3A_17 : i32
    %sign3A_19 = arith.extui %sign3A_18 : i1 to i32
    %sign3A_20 = arith.constant 0 : i32
    %sign3A_21 = arith.cmpi slt, %jit3A_10, %sign3A_20 : i32
    %sign3A_22 = arith.extui %sign3A_21 : i1 to i32
    %sign3A_23 = arith.subi %sign3A_19, %sign3A_22 : i32
    %ne3A_24 = arith.cmpi ne, %sign3A_16, %sign3A_23 : i32
    %rem3A_25 = arith.remsi %add3A, %jit3A_10 : i32
    %ne3A_26 = arith.constant 0 : i32
    %ne3A_27 = arith.cmpi ne, %rem3A_25, %ne3A_26 : i32
    %and3A_28 = arith.andi %ne3A_24, %ne3A_27 : i1
    %sub3A = arith.constant 1 : i32
    %sub3A_29 = arith.subi %div3A, %sub3A : i32
    %select_n3A_30 = arith.select %and3A_28, %sub3A_29, %div3A : i32
    %mul3A_31 = arith.constant 256 : i32
    %mul3A_32 = arith.muli %select_n3A_30, %mul3A_31 : i32
    %add3A_33 = arith.constant 0 : i32
    %add3A_34 = arith.addi %mul3A_32, %add3A_33 : i32
    %dma_start3A = arith.constant 0 : i32
    %dma_start3A_35 = arith.constant 0 : i32
    %dma_start3A_36 = arith.constant 0 : i32
    %dma_start3A_37 = arith.constant 0 : i32
    %dma_start3A_38 = tpu.memref_slice %arg4[%dma_start3A_36, %dma_start3A_35, %dma_start3A_37] : memref<8x2x1024xf32, #tpu.memory_space<vmem>> -> memref<8x1x1024xf32, #tpu.memory_space<vmem>>
    %dma_start3A_39 = tpu.memref_squeeze %dma_start3A_38 : memref<8x1x1024xf32, #tpu.memory_space<vmem>> -> memref<8x1024xf32, #tpu.memory_space<vmem>>
    %dma_start3A_40 = tpu.memref_reshape %arg2 : memref<4x4096x1024xf32, #tpu.memory_space<hbm>> -> memref<4x2x2048x1024xf32, #tpu.memory_space<hbm>>
    %dma_start3A_41 = arith.constant 0 : i32
    %dma_start3A_42 = tpu.memref_slice %dma_start3A_40[%select_n3A_9, %dma_start3A, %add3A_34, %dma_start3A_41] : memref<4x2x2048x1024xf32, #tpu.memory_space<hbm>> -> memref<1x1x8x1024xf32, #tpu.memory_space<hbm>>
    %dma_start3A_43 = tpu.memref_squeeze %dma_start3A_42 : memref<1x1x8x1024xf32, #tpu.memory_space<hbm>> -> memref<8x1024xf32, #tpu.memory_space<hbm>>
    %dma_start3A_44 = arith.constant 0 : i32
    %dma_start3A_45 = arith.constant 0 : i32
    %dma_start3A_46 = tpu.memref_slice %arg4[%dma_start3A_44, %dma_start3A_35, %dma_start3A_45] : memref<8x2x1024xf32, #tpu.memory_space<vmem>> -> memref<8x1x1024xf32, #tpu.memory_space<vmem>>
    %dma_start3A_47 = tpu.memref_squeeze %dma_start3A_46 : memref<8x1x1024xf32, #tpu.memory_space<vmem>> -> memref<8x1024xf32, #tpu.memory_space<vmem>>
    %dma_start3A_48 = tpu.memref_reshape %arg2 : memref<4x4096x1024xf32, #tpu.memory_space<hbm>> -> memref<4x2x2048x1024xf32, #tpu.memory_space<hbm>>
    %dma_start3A_49 = arith.constant 0 : i32
    %dma_start3A_50 = tpu.memref_slice %dma_start3A_48[%select_n3A_9, %dma_start3A, %add3A_34, %dma_start3A_49] : memref<4x2x2048x1024xf32, #tpu.memory_space<hbm>> -> memref<1x1x8x1024xf32, #tpu.memory_space<hbm>>
    %dma_start3A_51 = tpu.memref_squeeze %dma_start3A_50 : memref<1x1x8x1024xf32, #tpu.memory_space<hbm>> -> memref<8x1024xf32, #tpu.memory_space<hbm>>
    tpu.enqueue_dma source(%dma_start3A_51 : memref<8x1024xf32, #tpu.memory_space<hbm>>) target(%dma_start3A_47 : memref<8x1024xf32, #tpu.memory_space<vmem>>) target_semaphore(%arg8 : memref<!tpu.dma_semaphore, #tpu.memory_space<semaphore_mem>>)
    %dma_start3A_52 = arith.constant 1 : i32
    %dma_start3A_53 = arith.constant 1 : i32
    %dma_start3A_54 = arith.constant 0 : i32
    %dma_start3A_55 = arith.constant 0 : i32
    %dma_start3A_56 = tpu.memref_slice %arg4[%dma_start3A_54, %dma_start3A_53, %dma_start3A_55] : memref<8x2x1024xf32, #tpu.memory_space<vmem>> -> memref<8x1x1024xf32, #tpu.memory_space<vmem>>
    %dma_start3A_57 = tpu.memref_squeeze %dma_start3A_56 : memref<8x1x1024xf32, #tpu.memory_space<vmem>> -> memref<8x1024xf32, #tpu.memory_space<vmem>>
    %dma_start3A_58 = tpu.memref_reshape %arg2 : memref<4x4096x1024xf32, #tpu.memory_space<hbm>> -> memref<4x2x2048x1024xf32, #tpu.memory_space<hbm>>
    %dma_start3A_59 = arith.constant 0 : i32
    %dma_start3A_60 = tpu.memref_slice %dma_start3A_58[%select_n3A_9, %dma_start3A_52, %add3A_34, %dma_start3A_59] : memref<4x2x2048x1024xf32, #tpu.memory_space<hbm>> -> memref<1x1x8x1024xf32, #tpu.memory_space<hbm>>
    %dma_start3A_61 = tpu.memref_squeeze %dma_start3A_60 : memref<1x1x8x1024xf32, #tpu.memory_space<hbm>> -> memref<8x1024xf32, #tpu.memory_space<hbm>>
    %dma_start3A_62 = arith.constant 0 : i32
    %dma_start3A_63 = arith.constant 0 : i32
    %dma_start3A_64 = tpu.memref_slice %arg4[%dma_start3A_62, %dma_start3A_53, %dma_start3A_63] : memref<8x2x1024xf32, #tpu.memory_space<vmem>> -> memref<8x1x1024xf32, #tpu.memory_space<vmem>>
    %dma_start3A_65 = tpu.memref_squeeze %dma_start3A_64 : memref<8x1x1024xf32, #tpu.memory_space<vmem>> -> memref<8x1024xf32, #tpu.memory_space<vmem>>
    %dma_start3A_66 = tpu.memref_reshape %arg2 : memref<4x4096x1024xf32, #tpu.memory_space<hbm>> -> memref<4x2x2048x1024xf32, #tpu.memory_space<hbm>>
    %dma_start3A_67 = arith.constant 0 : i32
    %dma_start3A_68 = tpu.memref_slice %dma_start3A_66[%select_n3A_9, %dma_start3A_52, %add3A_34, %dma_start3A_67] : memref<4x2x2048x1024xf32, #tpu.memory_space<hbm>> -> memref<1x1x8x1024xf32, #tpu.memory_space<hbm>>
    %dma_start3A_69 = tpu.memref_squeeze %dma_start3A_68 : memref<1x1x8x1024xf32, #tpu.memory_space<hbm>> -> memref<8x1024xf32, #tpu.memory_space<hbm>>
    tpu.enqueue_dma source(%dma_start3A_69 : memref<8x1024xf32, #tpu.memory_space<hbm>>) target(%dma_start3A_65 : memref<8x1024xf32, #tpu.memory_space<vmem>>) target_semaphore(%arg8 : memref<!tpu.dma_semaphore, #tpu.memory_space<semaphore_mem>>)
    %add3A_70 = arith.constant 8 : i32
    %add3A_71 = arith.addi %mul3A_32, %add3A_70 : i32
    %dma_start3A_72 = arith.constant 0 : i32
    %dma_start3A_73 = arith.constant 0 : i32
    %dma_start3A_74 = arith.constant 0 : i32
    %dma_start3A_75 = arith.constant 0 : i32
    %dma_start3A_76 = tpu.memref_slice %arg5[%dma_start3A_74, %dma_start3A_73, %dma_start3A_75] : memref<8x2x1024xf32, #tpu.memory_space<vmem>> -> memref<8x1x1024xf32, #tpu.memory_space<vmem>>
    %dma_start3A_77 = tpu.memref_squeeze %dma_start3A_76 : memref<8x1x1024xf32, #tpu.memory_space<vmem>> -> memref<8x1024xf32, #tpu.memory_space<vmem>>
    %dma_start3A_78 = tpu.memref_reshape %arg2 : memref<4x4096x1024xf32, #tpu.memory_space<hbm>> -> memref<4x2x2048x1024xf32, #tpu.memory_space<hbm>>
    %dma_start3A_79 = arith.constant 0 : i32
    %dma_start3A_80 = tpu.memref_slice %dma_start3A_78[%select_n3A_9, %dma_start3A_72, %add3A_71, %dma_start3A_79] : memref<4x2x2048x1024xf32, #tpu.memory_space<hbm>> -> memref<1x1x8x1024xf32, #tpu.memory_space<hbm>>
    %dma_start3A_81 = tpu.memref_squeeze %dma_start3A_80 : memref<1x1x8x1024xf32, #tpu.memory_space<hbm>> -> memref<8x1024xf32, #tpu.memory_space<hbm>>
    %dma_start3A_82 = arith.constant 0 : i32
    %dma_start3A_83 = arith.constant 0 : i32
    %dma_start3A_84 = tpu.memref_slice %arg5[%dma_start3A_82, %dma_start3A_73, %dma_start3A_83] : memref<8x2x1024xf32, #tpu.memory_space<vmem>> -> memref<8x1x1024xf32, #tpu.memory_space<vmem>>
    %dma_start3A_85 = tpu.memref_squeeze %dma_start3A_84 : memref<8x1x1024xf32, #tpu.memory_space<vmem>> -> memref<8x1024xf32, #tpu.memory_space<vmem>>
    %dma_start3A_86 = tpu.memref_reshape %arg2 : memref<4x4096x1024xf32, #tpu.memory_space<hbm>> -> memref<4x2x2048x1024xf32, #tpu.memory_space<hbm>>
    %dma_start3A_87 = arith.constant 0 : i32
    %dma_start3A_88 = tpu.memref_slice %dma_start3A_86[%select_n3A_9, %dma_start3A_72, %add3A_71, %dma_start3A_87] : memref<4x2x2048x1024xf32, #tpu.memory_space<hbm>> -> memref<1x1x8x1024xf32, #tpu.memory_space<hbm>>
    %dma_start3A_89 = tpu.memref_squeeze %dma_start3A_88 : memref<1x1x8x1024xf32, #tpu.memory_space<hbm>> -> memref<8x1024xf32, #tpu.memory_space<hbm>>
    tpu.enqueue_dma source(%dma_start3A_89 : memref<8x1024xf32, #tpu.memory_space<hbm>>) target(%dma_start3A_85 : memref<8x1024xf32, #tpu.memory_space<vmem>>) target_semaphore(%arg9 : memref<!tpu.dma_semaphore, #tpu.memory_space<semaphore_mem>>)
    %dma_start3A_90 = arith.constant 1 : i32
    %dma_start3A_91 = arith.constant 1 : i32
    %dma_start3A_92 = arith.constant 0 : i32
    %dma_start3A_93 = arith.constant 0 : i32
    %dma_start3A_94 = tpu.memref_slice %arg5[%dma_start3A_92, %dma_start3A_91, %dma_start3A_93] : memref<8x2x1024xf32, #tpu.memory_space<vmem>> -> memref<8x1x1024xf32, #tpu.memory_space<vmem>>
    %dma_start3A_95 = tpu.memref_squeeze %dma_start3A_94 : memref<8x1x1024xf32, #tpu.memory_space<vmem>> -> memref<8x1024xf32, #tpu.memory_space<vmem>>
    %dma_start3A_96 = tpu.memref_reshape %arg2 : memref<4x4096x1024xf32, #tpu.memory_space<hbm>> -> memref<4x2x2048x1024xf32, #tpu.memory_space<hbm>>
    %dma_start3A_97 = arith.constant 0 : i32
    %dma_start3A_98 = tpu.memref_slice %dma_start3A_96[%select_n3A_9, %dma_start3A_90, %add3A_71, %dma_start3A_97] : memref<4x2x2048x1024xf32, #tpu.memory_space<hbm>> -> memref<1x1x8x1024xf32, #tpu.memory_space<hbm>>
    %dma_start3A_99 = tpu.memref_squeeze %dma_start3A_98 : memref<1x1x8x1024xf32, #tpu.memory_space<hbm>> -> memref<8x1024xf32, #tpu.memory_space<hbm>>
    %dma_start3A_100 = arith.constant 0 : i32
    %dma_start3A_101 = arith.constant 0 : i32
    %dma_start3A_102 = tpu.memref_slice %arg5[%dma_start3A_100, %dma_start3A_91, %dma_start3A_101] : memref<8x2x1024xf32, #tpu.memory_space<vmem>> -> memref<8x1x1024xf32, #tpu.memory_space<vmem>>
    %dma_start3A_103 = tpu.memref_squeeze %dma_start3A_102 : memref<8x1x1024xf32, #tpu.memory_space<vmem>> -> memref<8x1024xf32, #tpu.memory_space<vmem>>
    %dma_start3A_104 = tpu.memref_reshape %arg2 : memref<4x4096x1024xf32, #tpu.memory_space<hbm>> -> memref<4x2x2048x1024xf32, #tpu.memory_space<hbm>>
    %dma_start3A_105 = arith.constant 0 : i32
    %dma_start3A_106 = tpu.memref_slice %dma_start3A_104[%select_n3A_9, %dma_start3A_90, %add3A_71, %dma_start3A_105] : memref<4x2x2048x1024xf32, #tpu.memory_space<hbm>> -> memref<1x1x8x1024xf32, #tpu.memory_space<hbm>>
    %dma_start3A_107 = tpu.memref_squeeze %dma_start3A_106 : memref<1x1x8x1024xf32, #tpu.memory_space<hbm>> -> memref<8x1024xf32, #tpu.memory_space<hbm>>
    tpu.enqueue_dma source(%dma_start3A_107 : memref<8x1024xf32, #tpu.memory_space<hbm>>) target(%dma_start3A_103 : memref<8x1024xf32, #tpu.memory_space<vmem>>) target_semaphore(%arg9 : memref<!tpu.dma_semaphore, #tpu.memory_space<semaphore_mem>>)
    %add3A_108 = arith.constant 16 : i32
    %add3A_109 = arith.addi %mul3A_32, %add3A_108 : i32
    %dma_start3A_110 = arith.constant 0 : i32
    %dma_start3A_111 = arith.constant 0 : i32
    %dma_start3A_112 = arith.constant 0 : i32
    %dma_start3A_113 = arith.constant 0 : i32
    %dma_start3A_114 = tpu.memref_slice %arg6[%dma_start3A_112, %dma_start3A_111, %dma_start3A_113] : memref<8x2x1024xf32, #tpu.memory_space<vmem>> -> memref<8x1x1024xf32, #tpu.memory_space<vmem>>
    %dma_start3A_115 = tpu.memref_squeeze %dma_start3A_114 : memref<8x1x1024xf32, #tpu.memory_space<vmem>> -> memref<8x1024xf32, #tpu.memory_space<vmem>>
    %dma_start3A_116 = tpu.memref_reshape %arg2 : memref<4x4096x1024xf32, #tpu.memory_space<hbm>> -> memref<4x2x2048x1024xf32, #tpu.memory_space<hbm>>
    %dma_start3A_117 = arith.constant 0 : i32
    %dma_start3A_118 = tpu.memref_slice %dma_start3A_116[%select_n3A_9, %dma_start3A_110, %add3A_109, %dma_start3A_117] : memref<4x2x2048x1024xf32, #tpu.memory_space<hbm>> -> memref<1x1x8x1024xf32, #tpu.memory_space<hbm>>
    %dma_start3A_119 = tpu.memref_squeeze %dma_start3A_118 : memref<1x1x8x1024xf32, #tpu.memory_space<hbm>> -> memref<8x1024xf32, #tpu.memory_space<hbm>>
    %dma_start3A_120 = arith.constant 0 : i32
    %dma_start3A_121 = arith.constant 0 : i32
    %dma_start3A_122 = tpu.memref_slice %arg6[%dma_start3A_120, %dma_start3A_111, %dma_start3A_121] : memref<8x2x1024xf32, #tpu.memory_space<vmem>> -> memref<8x1x1024xf32, #tpu.memory_space<vmem>>
    %dma_start3A_123 = tpu.memref_squeeze %dma_start3A_122 : memref<8x1x1024xf32, #tpu.memory_space<vmem>> -> memref<8x1024xf32, #tpu.memory_space<vmem>>
    %dma_start3A_124 = tpu.memref_reshape %arg2 : memref<4x4096x1024xf32, #tpu.memory_space<hbm>> -> memref<4x2x2048x1024xf32, #tpu.memory_space<hbm>>
    %dma_start3A_125 = arith.constant 0 : i32
    %dma_start3A_126 = tpu.memref_slice %dma_start3A_124[%select_n3A_9, %dma_start3A_110, %add3A_109, %dma_start3A_125] : memref<4x2x2048x1024xf32, #tpu.memory_space<hbm>> -> memref<1x1x8x1024xf32, #tpu.memory_space<hbm>>
    %dma_start3A_127 = tpu.memref_squeeze %dma_start3A_126 : memref<1x1x8x1024xf32, #tpu.memory_space<hbm>> -> memref<8x1024xf32, #tpu.memory_space<hbm>>
    tpu.enqueue_dma source(%dma_start3A_127 : memref<8x1024xf32, #tpu.memory_space<hbm>>) target(%dma_start3A_123 : memref<8x1024xf32, #tpu.memory_space<vmem>>) target_semaphore(%arg10 : memref<!tpu.dma_semaphore, #tpu.memory_space<semaphore_mem>>)
    %dma_start3A_128 = arith.constant 1 : i32
    %dma_start3A_129 = arith.constant 1 : i32
    %dma_start3A_130 = arith.constant 0 : i32
    %dma_start3A_131 = arith.constant 0 : i32
    %dma_start3A_132 = tpu.memref_slice %arg6[%dma_start3A_130, %dma_start3A_129, %dma_start3A_131] : memref<8x2x1024xf32, #tpu.memory_space<vmem>> -> memref<8x1x1024xf32, #tpu.memory_space<vmem>>
    %dma_start3A_133 = tpu.memref_squeeze %dma_start3A_132 : memref<8x1x1024xf32, #tpu.memory_space<vmem>> -> memref<8x1024xf32, #tpu.memory_space<vmem>>
    %dma_start3A_134 = tpu.memref_reshape %arg2 : memref<4x4096x1024xf32, #tpu.memory_space<hbm>> -> memref<4x2x2048x1024xf32, #tpu.memory_space<hbm>>
    %dma_start3A_135 = arith.constant 0 : i32
    %dma_start3A_136 = tpu.memref_slice %dma_start3A_134[%select_n3A_9, %dma_start3A_128, %add3A_109, %dma_start3A_135] : memref<4x2x2048x1024xf32, #tpu.memory_space<hbm>> -> memref<1x1x8x1024xf32, #tpu.memory_space<hbm>>
    %dma_start3A_137 = tpu.memref_squeeze %dma_start3A_136 : memref<1x1x8x1024xf32, #tpu.memory_space<hbm>> -> memref<8x1024xf32, #tpu.memory_space<hbm>>
    %dma_start3A_138 = arith.constant 0 : i32
    %dma_start3A_139 = arith.constant 0 : i32
    %dma_start3A_140 = tpu.memref_slice %arg6[%dma_start3A_138, %dma_start3A_129, %dma_start3A_139] : memref<8x2x1024xf32, #tpu.memory_space<vmem>> -> memref<8x1x1024xf32, #tpu.memory_space<vmem>>
    %dma_start3A_141 = tpu.memref_squeeze %dma_start3A_140 : memref<8x1x1024xf32, #tpu.memory_space<vmem>> -> memref<8x1024xf32, #tpu.memory_space<vmem>>
    %dma_start3A_142 = tpu.memref_reshape %arg2 : memref<4x4096x1024xf32, #tpu.memory_space<hbm>> -> memref<4x2x2048x1024xf32, #tpu.memory_space<hbm>>
    %dma_start3A_143 = arith.constant 0 : i32
    %dma_start3A_144 = tpu.memref_slice %dma_start3A_142[%select_n3A_9, %dma_start3A_128, %add3A_109, %dma_start3A_143] : memref<4x2x2048x1024xf32, #tpu.memory_space<hbm>> -> memref<1x1x8x1024xf32, #tpu.memory_space<hbm>>
    %dma_start3A_145 = tpu.memref_squeeze %dma_start3A_144 : memref<1x1x8x1024xf32, #tpu.memory_space<hbm>> -> memref<8x1024xf32, #tpu.memory_space<hbm>>
    tpu.enqueue_dma source(%dma_start3A_145 : memref<8x1024xf32, #tpu.memory_space<hbm>>) target(%dma_start3A_141 : memref<8x1024xf32, #tpu.memory_space<vmem>>) target_semaphore(%arg10 : memref<!tpu.dma_semaphore, #tpu.memory_space<semaphore_mem>>)
    %scan3A = arith.constant 0 : i32
    %scan3A_146 = arith.constant 0 : i32
    %scan3A_147 = arith.constant 8 : i32
    %scan3A_148 = arith.addi %scan3A_146, %scan3A_147 : i32
    %scan3A_149 = arith.constant 1 : i32
    scf.for %scan3A_160 = %scan3A_146 to %scan3A_148 step %scan3A_149  : i32 {
      %mul3A_161 = arith.constant 4 : i32
      %mul3A_162 = arith.muli %scan3A_160, %mul3A_161 : i32
      %add3A_163 = arith.constant 0 : i32
      %add3A_164 = arith.addi %mul3A_162, %add3A_163 : i32
      %ge3A = arith.constant 1 : i32
      %ge3A_165 = arith.cmpi sge, %add3A_164, %ge3A : i32
      %convert_element_type3A = arith.extui %ge3A_165 : i1 to i32
      %cond3A = arith.constant 0 : i32
      %cond3A_166 = arith.cmpi ne, %convert_element_type3A, %cond3A : i32
      scf.if %cond3A_166 {
        %mul3A_426 = arith.constant 2 : i32
        %mul3A_427 = arith.muli %mul3A_426, %mul3A_32 : i32
        %dma_wait3A_428 = tpu.memref_reshape %arg7 : memref<8x2x1024xf32, #tpu.memory_space<vmem>> -> memref<16x1024xf32, #tpu.memory_space<vmem>>
        %dma_wait3A_429 = arith.constant 0 : i32
        %dma_wait3A_430 = tpu.memref_slice %arg3[%select_n3A_9, %mul3A_427, %dma_wait3A_429] : memref<4x4096x1024xf32, #tpu.memory_space<hbm>> -> memref<1x16x1024xf32, #tpu.memory_space<hbm>>
        %dma_wait3A_431 = tpu.memref_squeeze %dma_wait3A_430 : memref<1x16x1024xf32, #tpu.memory_space<hbm>> -> memref<16x1024xf32, #tpu.memory_space<hbm>>
        %dma_wait3A_432 = arith.constant 0 : i32
        %dma_wait3A_433 = tpu.memref_slice %arg3[%select_n3A_9, %mul3A_427, %dma_wait3A_432] : memref<4x4096x1024xf32, #tpu.memory_space<hbm>> -> memref<1x16x1024xf32, #tpu.memory_space<hbm>>
        %dma_wait3A_434 = tpu.memref_squeeze %dma_wait3A_433 : memref<1x16x1024xf32, #tpu.memory_space<hbm>> -> memref<16x1024xf32, #tpu.memory_space<hbm>>
        %dma_wait3A_435 = tpu.memref_reshape %arg7 : memref<8x2x1024xf32, #tpu.memory_space<vmem>> -> memref<16x1024xf32, #tpu.memory_space<vmem>>
        tpu.wait_dma2 semaphore(%arg15 : memref<!tpu.dma_semaphore, #tpu.memory_space<semaphore_mem>>) src(%dma_wait3A_435 : memref<16x1024xf32, #tpu.memory_space<vmem>>) dst(%dma_wait3A_434 : memref<16x1024xf32, #tpu.memory_space<hbm>>)
      } else {
      }
      %add3A_167 = arith.constant 4 : i32
      %add3A_168 = arith.addi %add3A_164, %add3A_167 : i32
      %sub3A_169 = arith.constant 1 : i32
      %sub3A_170 = arith.subi %add3A_168, %sub3A_169 : i32
      %lt3A_171 = arith.constant 32 : i32
      %lt3A_172 = arith.cmpi slt, %sub3A_170, %lt3A_171 : i32
      %convert_element_type3A_173 = arith.extui %lt3A_172 : i1 to i32
      %cond3A_174 = arith.constant 0 : i32
      %cond3A_175 = arith.cmpi ne, %convert_element_type3A_173, %cond3A_174 : i32
      scf.if %cond3A_175 {
        %add3A_426 = arith.constant 4 : i32
        %add3A_427 = arith.addi %add3A_164, %add3A_426 : i32
        %sub3A_428 = arith.constant 1 : i32
        %sub3A_429 = arith.subi %add3A_427, %sub3A_428 : i32
        %mul3A_430 = arith.constant 8 : i32
        %mul3A_431 = arith.muli %sub3A_429, %mul3A_430 : i32
        %add3A_432 = arith.addi %mul3A_32, %mul3A_431 : i32
        %dma_start3A_433 = arith.constant 0 : i32
        %dma_start3A_434 = arith.constant 0 : i32
        %dma_start3A_435 = arith.constant 0 : i32
        %dma_start3A_436 = arith.constant 0 : i32
        %dma_start3A_437 = tpu.memref_slice %arg7[%dma_start3A_435, %dma_start3A_434, %dma_start3A_436] : memref<8x2x1024xf32, #tpu.memory_space<vmem>> -> memref<8x1x1024xf32, #tpu.memory_space<vmem>>
        %dma_start3A_438 = tpu.memref_squeeze %dma_start3A_437 : memref<8x1x1024xf32, #tpu.memory_space<vmem>> -> memref<8x1024xf32, #tpu.memory_space<vmem>>
        %dma_start3A_439 = tpu.memref_reshape %arg2 : memref<4x4096x1024xf32, #tpu.memory_space<hbm>> -> memref<4x2x2048x1024xf32, #tpu.memory_space<hbm>>
        %dma_start3A_440 = arith.constant 0 : i32
        %dma_start3A_441 = tpu.memref_slice %dma_start3A_439[%select_n3A_9, %dma_start3A_433, %add3A_432, %dma_start3A_440] : memref<4x2x2048x1024xf32, #tpu.memory_space<hbm>> -> memref<1x1x8x1024xf32, #tpu.memory_space<hbm>>
        %dma_start3A_442 = tpu.memref_squeeze %dma_start3A_441 : memref<1x1x8x1024xf32, #tpu.memory_space<hbm>> -> memref<8x1024xf32, #tpu.memory_space<hbm>>
        %dma_start3A_443 = arith.constant 0 : i32
        %dma_start3A_444 = arith.constant 0 : i32
        %dma_start3A_445 = tpu.memref_slice %arg7[%dma_start3A_443, %dma_start3A_434, %dma_start3A_444] : memref<8x2x1024xf32, #tpu.memory_space<vmem>> -> memref<8x1x1024xf32, #tpu.memory_space<vmem>>
        %dma_start3A_446 = tpu.memref_squeeze %dma_start3A_445 : memref<8x1x1024xf32, #tpu.memory_space<vmem>> -> memref<8x1024xf32, #tpu.memory_space<vmem>>
        %dma_start3A_447 = tpu.memref_reshape %arg2 : memref<4x4096x1024xf32, #tpu.memory_space<hbm>> -> memref<4x2x2048x1024xf32, #tpu.memory_space<hbm>>
        %dma_start3A_448 = arith.constant 0 : i32
        %dma_start3A_449 = tpu.memref_slice %dma_start3A_447[%select_n3A_9, %dma_start3A_433, %add3A_432, %dma_start3A_448] : memref<4x2x2048x1024xf32, #tpu.memory_space<hbm>> -> memref<1x1x8x1024xf32, #tpu.memory_space<hbm>>
        %dma_start3A_450 = tpu.memref_squeeze %dma_start3A_449 : memref<1x1x8x1024xf32, #tpu.memory_space<hbm>> -> memref<8x1024xf32, #tpu.memory_space<hbm>>
        tpu.enqueue_dma source(%dma_start3A_450 : memref<8x1024xf32, #tpu.memory_space<hbm>>) target(%dma_start3A_446 : memref<8x1024xf32, #tpu.memory_space<vmem>>) target_semaphore(%arg11 : memref<!tpu.dma_semaphore, #tpu.memory_space<semaphore_mem>>)
        %dma_start3A_451 = arith.constant 1 : i32
        %dma_start3A_452 = arith.constant 1 : i32
        %dma_start3A_453 = arith.constant 0 : i32
        %dma_start3A_454 = arith.constant 0 : i32
        %dma_start3A_455 = tpu.memref_slice %arg7[%dma_start3A_453, %dma_start3A_452, %dma_start3A_454] : memref<8x2x1024xf32, #tpu.memory_space<vmem>> -> memref<8x1x1024xf32, #tpu.memory_space<vmem>>
        %dma_start3A_456 = tpu.memref_squeeze %dma_start3A_455 : memref<8x1x1024xf32, #tpu.memory_space<vmem>> -> memref<8x1024xf32, #tpu.memory_space<vmem>>
        %dma_start3A_457 = tpu.memref_reshape %arg2 : memref<4x4096x1024xf32, #tpu.memory_space<hbm>> -> memref<4x2x2048x1024xf32, #tpu.memory_space<hbm>>
        %dma_start3A_458 = arith.constant 0 : i32
        %dma_start3A_459 = tpu.memref_slice %dma_start3A_457[%select_n3A_9, %dma_start3A_451, %add3A_432, %dma_start3A_458] : memref<4x2x2048x1024xf32, #tpu.memory_space<hbm>> -> memref<1x1x8x1024xf32, #tpu.memory_space<hbm>>
        %dma_start3A_460 = tpu.memref_squeeze %dma_start3A_459 : memref<1x1x8x1024xf32, #tpu.memory_space<hbm>> -> memref<8x1024xf32, #tpu.memory_space<hbm>>
        %dma_start3A_461 = arith.constant 0 : i32
        %dma_start3A_462 = arith.constant 0 : i32
        %dma_start3A_463 = tpu.memref_slice %arg7[%dma_start3A_461, %dma_start3A_452, %dma_start3A_462] : memref<8x2x1024xf32, #tpu.memory_space<vmem>> -> memref<8x1x1024xf32, #tpu.memory_space<vmem>>
        %dma_start3A_464 = tpu.memref_squeeze %dma_start3A_463 : memref<8x1x1024xf32, #tpu.memory_space<vmem>> -> memref<8x1024xf32, #tpu.memory_space<vmem>>
        %dma_start3A_465 = tpu.memref_reshape %arg2 : memref<4x4096x1024xf32, #tpu.memory_space<hbm>> -> memref<4x2x2048x1024xf32, #tpu.memory_space<hbm>>
        %dma_start3A_466 = arith.constant 0 : i32
        %dma_start3A_467 = tpu.memref_slice %dma_start3A_465[%select_n3A_9, %dma_start3A_451, %add3A_432, %dma_start3A_466] : memref<4x2x2048x1024xf32, #tpu.memory_space<hbm>> -> memref<1x1x8x1024xf32, #tpu.memory_space<hbm>>
        %dma_start3A_468 = tpu.memref_squeeze %dma_start3A_467 : memref<1x1x8x1024xf32, #tpu.memory_space<hbm>> -> memref<8x1024xf32, #tpu.memory_space<hbm>>
        tpu.enqueue_dma source(%dma_start3A_468 : memref<8x1024xf32, #tpu.memory_space<hbm>>) target(%dma_start3A_464 : memref<8x1024xf32, #tpu.memory_space<vmem>>) target_semaphore(%arg11 : memref<!tpu.dma_semaphore, #tpu.memory_space<semaphore_mem>>)
      } else {
      }
      %dma_wait3A_176 = arith.constant 0 : i32
      %dma_wait3A_177 = arith.constant 0 : i32
      %dma_wait3A_178 = arith.constant 0 : i32
      %dma_wait3A_179 = arith.constant 0 : i32
      %dma_wait3A_180 = tpu.memref_slice %arg4[%dma_wait3A_178, %dma_wait3A_177, %dma_wait3A_179] : memref<8x2x1024xf32, #tpu.memory_space<vmem>> -> memref<8x1x1024xf32, #tpu.memory_space<vmem>>
      %dma_wait3A_181 = tpu.memref_squeeze %dma_wait3A_180 : memref<8x1x1024xf32, #tpu.memory_space<vmem>> -> memref<8x1024xf32, #tpu.memory_space<vmem>>
      %dma_wait3A_182 = tpu.memref_reshape %arg2 : memref<4x4096x1024xf32, #tpu.memory_space<hbm>> -> memref<4x2x2048x1024xf32, #tpu.memory_space<hbm>>
      %dma_wait3A_183 = arith.constant 0 : i32
      %dma_wait3A_184 = tpu.memref_slice %dma_wait3A_182[%select_n3A_9, %dma_wait3A_176, %mul3A_32, %dma_wait3A_183] : memref<4x2x2048x1024xf32, #tpu.memory_space<hbm>> -> memref<1x1x8x1024xf32, #tpu.memory_space<hbm>>
      %dma_wait3A_185 = tpu.memref_squeeze %dma_wait3A_184 : memref<1x1x8x1024xf32, #tpu.memory_space<hbm>> -> memref<8x1024xf32, #tpu.memory_space<hbm>>
      %dma_wait3A_186 = arith.constant 0 : i32
      %dma_wait3A_187 = arith.constant 0 : i32
      %dma_wait3A_188 = tpu.memref_slice %arg4[%dma_wait3A_186, %dma_wait3A_177, %dma_wait3A_187] : memref<8x2x1024xf32, #tpu.memory_space<vmem>> -> memref<8x1x1024xf32, #tpu.memory_space<vmem>>
      %dma_wait3A_189 = tpu.memref_squeeze %dma_wait3A_188 : memref<8x1x1024xf32, #tpu.memory_space<vmem>> -> memref<8x1024xf32, #tpu.memory_space<vmem>>
      %dma_wait3A_190 = tpu.memref_reshape %arg2 : memref<4x4096x1024xf32, #tpu.memory_space<hbm>> -> memref<4x2x2048x1024xf32, #tpu.memory_space<hbm>>
      %dma_wait3A_191 = arith.constant 0 : i32
      %dma_wait3A_192 = tpu.memref_slice %dma_wait3A_190[%select_n3A_9, %dma_wait3A_176, %mul3A_32, %dma_wait3A_191] : memref<4x2x2048x1024xf32, #tpu.memory_space<hbm>> -> memref<1x1x8x1024xf32, #tpu.memory_space<hbm>>
      %dma_wait3A_193 = tpu.memref_squeeze %dma_wait3A_192 : memref<1x1x8x1024xf32, #tpu.memory_space<hbm>> -> memref<8x1024xf32, #tpu.memory_space<hbm>>
      tpu.wait_dma2 semaphore(%arg8 : memref<!tpu.dma_semaphore, #tpu.memory_space<semaphore_mem>>) src(%dma_wait3A_193 : memref<8x1024xf32, #tpu.memory_space<hbm>>) dst(%dma_wait3A_189 : memref<8x1024xf32, #tpu.memory_space<vmem>>)
      %dma_wait3A_194 = arith.constant 1 : i32
      %dma_wait3A_195 = arith.constant 1 : i32
      %dma_wait3A_196 = arith.constant 0 : i32
      %dma_wait3A_197 = arith.constant 0 : i32
      %dma_wait3A_198 = tpu.memref_slice %arg4[%dma_wait3A_196, %dma_wait3A_195, %dma_wait3A_197] : memref<8x2x1024xf32, #tpu.memory_space<vmem>> -> memref<8x1x1024xf32, #tpu.memory_space<vmem>>
      %dma_wait3A_199 = tpu.memref_squeeze %dma_wait3A_198 : memref<8x1x1024xf32, #tpu.memory_space<vmem>> -> memref<8x1024xf32, #tpu.memory_space<vmem>>
      %dma_wait3A_200 = tpu.memref_reshape %arg2 : memref<4x4096x1024xf32, #tpu.memory_space<hbm>> -> memref<4x2x2048x1024xf32, #tpu.memory_space<hbm>>
      %dma_wait3A_201 = arith.constant 0 : i32
      %dma_wait3A_202 = tpu.memref_slice %dma_wait3A_200[%select_n3A_9, %dma_wait3A_194, %mul3A_32, %dma_wait3A_201] : memref<4x2x2048x1024xf32, #tpu.memory_space<hbm>> -> memref<1x1x8x1024xf32, #tpu.memory_space<hbm>>
      %dma_wait3A_203 = tpu.memref_squeeze %dma_wait3A_202 : memref<1x1x8x1024xf32, #tpu.memory_space<hbm>> -> memref<8x1024xf32, #tpu.memory_space<hbm>>
      %dma_wait3A_204 = arith.constant 0 : i32
      %dma_wait3A_205 = arith.constant 0 : i32
      %dma_wait3A_206 = tpu.memref_slice %arg4[%dma_wait3A_204, %dma_wait3A_195, %dma_wait3A_205] : memref<8x2x1024xf32, #tpu.memory_space<vmem>> -> memref<8x1x1024xf32, #tpu.memory_space<vmem>>
      %dma_wait3A_207 = tpu.memref_squeeze %dma_wait3A_206 : memref<8x1x1024xf32, #tpu.memory_space<vmem>> -> memref<8x1024xf32, #tpu.memory_space<vmem>>
      %dma_wait3A_208 = tpu.memref_reshape %arg2 : memref<4x4096x1024xf32, #tpu.memory_space<hbm>> -> memref<4x2x2048x1024xf32, #tpu.memory_space<hbm>>
      %dma_wait3A_209 = arith.constant 0 : i32
      %dma_wait3A_210 = tpu.memref_slice %dma_wait3A_208[%select_n3A_9, %dma_wait3A_194, %mul3A_32, %dma_wait3A_209] : memref<4x2x2048x1024xf32, #tpu.memory_space<hbm>> -> memref<1x1x8x1024xf32, #tpu.memory_space<hbm>>
      %dma_wait3A_211 = tpu.memref_squeeze %dma_wait3A_210 : memref<1x1x8x1024xf32, #tpu.memory_space<hbm>> -> memref<8x1024xf32, #tpu.memory_space<hbm>>
      tpu.wait_dma2 semaphore(%arg8 : memref<!tpu.dma_semaphore, #tpu.memory_space<semaphore_mem>>) src(%dma_wait3A_211 : memref<8x1024xf32, #tpu.memory_space<hbm>>) dst(%dma_wait3A_207 : memref<8x1024xf32, #tpu.memory_space<vmem>>)
      %mul3A_212 = arith.constant 8 : i32
      %mul3A_213 = arith.muli %add3A_164, %mul3A_212 : i32
      %add3A_214 = arith.addi %mul3A_32, %mul3A_213 : i32
      %mul3A_215 = arith.constant 2 : i32
      %mul3A_216 = arith.muli %mul3A_215, %add3A_214 : i32
      %dma_start3A_217 = tpu.memref_reshape %arg4 : memref<8x2x1024xf32, #tpu.memory_space<vmem>> -> memref<16x1024xf32, #tpu.memory_space<vmem>>
      %dma_start3A_218 = arith.constant 0 : i32
      %dma_start3A_219 = tpu.memref_slice %arg3[%select_n3A_9, %mul3A_216, %dma_start3A_218] : memref<4x4096x1024xf32, #tpu.memory_space<hbm>> -> memref<1x16x1024xf32, #tpu.memory_space<hbm>>
      %dma_start3A_220 = tpu.memref_squeeze %dma_start3A_219 : memref<1x16x1024xf32, #tpu.memory_space<hbm>> -> memref<16x1024xf32, #tpu.memory_space<hbm>>
      %dma_start3A_221 = arith.constant 0 : i32
      %dma_start3A_222 = tpu.memref_slice %arg3[%select_n3A_9, %mul3A_216, %dma_start3A_221] : memref<4x4096x1024xf32, #tpu.memory_space<hbm>> -> memref<1x16x1024xf32, #tpu.memory_space<hbm>>
      %dma_start3A_223 = tpu.memref_squeeze %dma_start3A_222 : memref<1x16x1024xf32, #tpu.memory_space<hbm>> -> memref<16x1024xf32, #tpu.memory_space<hbm>>
      %dma_start3A_224 = tpu.memref_reshape %arg4 : memref<8x2x1024xf32, #tpu.memory_space<vmem>> -> memref<16x1024xf32, #tpu.memory_space<vmem>>
      tpu.enqueue_dma source(%dma_start3A_224 : memref<16x1024xf32, #tpu.memory_space<vmem>>) target(%dma_start3A_223 : memref<16x1024xf32, #tpu.memory_space<hbm>>) target_semaphore(%arg12 : memref<!tpu.dma_semaphore, #tpu.memory_space<semaphore_mem>>)
      %mul3A_225 = arith.constant 4 : i32
      %mul3A_226 = arith.muli %scan3A_160, %mul3A_225 : i32
      %add3A_227 = arith.constant 1 : i32
      %add3A_228 = arith.addi %mul3A_226, %add3A_227 : i32
      %ge3A_229 = arith.constant 1 : i32
      %ge3A_230 = arith.cmpi sge, %add3A_228, %ge3A_229 : i32
      %convert_element_type3A_231 = arith.extui %ge3A_230 : i1 to i32
      %cond3A_232 = arith.constant 0 : i32
      %cond3A_233 = arith.cmpi ne, %convert_element_type3A_231, %cond3A_232 : i32
      scf.if %cond3A_233 {
        %mul3A_426 = arith.constant 2 : i32
        %mul3A_427 = arith.muli %mul3A_426, %mul3A_32 : i32
        %dma_wait3A_428 = tpu.memref_reshape %arg4 : memref<8x2x1024xf32, #tpu.memory_space<vmem>> -> memref<16x1024xf32, #tpu.memory_space<vmem>>
        %dma_wait3A_429 = arith.constant 0 : i32
        %dma_wait3A_430 = tpu.memref_slice %arg3[%select_n3A_9, %mul3A_427, %dma_wait3A_429] : memref<4x4096x1024xf32, #tpu.memory_space<hbm>> -> memref<1x16x1024xf32, #tpu.memory_space<hbm>>
        %dma_wait3A_431 = tpu.memref_squeeze %dma_wait3A_430 : memref<1x16x1024xf32, #tpu.memory_space<hbm>> -> memref<16x1024xf32, #tpu.memory_space<hbm>>
        %dma_wait3A_432 = arith.constant 0 : i32
        %dma_wait3A_433 = tpu.memref_slice %arg3[%select_n3A_9, %mul3A_427, %dma_wait3A_432] : memref<4x4096x1024xf32, #tpu.memory_space<hbm>> -> memref<1x16x1024xf32, #tpu.memory_space<hbm>>
        %dma_wait3A_434 = tpu.memref_squeeze %dma_wait3A_433 : memref<1x16x1024xf32, #tpu.memory_space<hbm>> -> memref<16x1024xf32, #tpu.memory_space<hbm>>
        %dma_wait3A_435 = tpu.memref_reshape %arg4 : memref<8x2x1024xf32, #tpu.memory_space<vmem>> -> memref<16x1024xf32, #tpu.memory_space<vmem>>
        tpu.wait_dma2 semaphore(%arg12 : memref<!tpu.dma_semaphore, #tpu.memory_space<semaphore_mem>>) src(%dma_wait3A_435 : memref<16x1024xf32, #tpu.memory_space<vmem>>) dst(%dma_wait3A_434 : memref<16x1024xf32, #tpu.memory_space<hbm>>)
      } else {
      }
      %add3A_234 = arith.constant 4 : i32
      %add3A_235 = arith.addi %add3A_228, %add3A_234 : i32
      %sub3A_236 = arith.constant 1 : i32
      %sub3A_237 = arith.subi %add3A_235, %sub3A_236 : i32
      %lt3A_238 = arith.constant 32 : i32
      %lt3A_239 = arith.cmpi slt, %sub3A_237, %lt3A_238 : i32
      %convert_element_type3A_240 = arith.extui %lt3A_239 : i1 to i32
      %cond3A_241 = arith.constant 0 : i32
      %cond3A_242 = arith.cmpi ne, %convert_element_type3A_240, %cond3A_241 : i32
      scf.if %cond3A_242 {
        %add3A_426 = arith.constant 4 : i32
        %add3A_427 = arith.addi %add3A_228, %add3A_426 : i32
        %sub3A_428 = arith.constant 1 : i32
        %sub3A_429 = arith.subi %add3A_427, %sub3A_428 : i32
        %mul3A_430 = arith.constant 8 : i32
        %mul3A_431 = arith.muli %sub3A_429, %mul3A_430 : i32
        %add3A_432 = arith.addi %mul3A_32, %mul3A_431 : i32
        %dma_start3A_433 = arith.constant 0 : i32
        %dma_start3A_434 = arith.constant 0 : i32
        %dma_start3A_435 = arith.constant 0 : i32
        %dma_start3A_436 = arith.constant 0 : i32
        %dma_start3A_437 = tpu.memref_slice %arg4[%dma_start3A_435, %dma_start3A_434, %dma_start3A_436] : memref<8x2x1024xf32, #tpu.memory_space<vmem>> -> memref<8x1x1024xf32, #tpu.memory_space<vmem>>
        %dma_start3A_438 = tpu.memref_squeeze %dma_start3A_437 : memref<8x1x1024xf32, #tpu.memory_space<vmem>> -> memref<8x1024xf32, #tpu.memory_space<vmem>>
        %dma_start3A_439 = tpu.memref_reshape %arg2 : memref<4x4096x1024xf32, #tpu.memory_space<hbm>> -> memref<4x2x2048x1024xf32, #tpu.memory_space<hbm>>
        %dma_start3A_440 = arith.constant 0 : i32
        %dma_start3A_441 = tpu.memref_slice %dma_start3A_439[%select_n3A_9, %dma_start3A_433, %add3A_432, %dma_start3A_440] : memref<4x2x2048x1024xf32, #tpu.memory_space<hbm>> -> memref<1x1x8x1024xf32, #tpu.memory_space<hbm>>
        %dma_start3A_442 = tpu.memref_squeeze %dma_start3A_441 : memref<1x1x8x1024xf32, #tpu.memory_space<hbm>> -> memref<8x1024xf32, #tpu.memory_space<hbm>>
        %dma_start3A_443 = arith.constant 0 : i32
        %dma_start3A_444 = arith.constant 0 : i32
        %dma_start3A_445 = tpu.memref_slice %arg4[%dma_start3A_443, %dma_start3A_434, %dma_start3A_444] : memref<8x2x1024xf32, #tpu.memory_space<vmem>> -> memref<8x1x1024xf32, #tpu.memory_space<vmem>>
        %dma_start3A_446 = tpu.memref_squeeze %dma_start3A_445 : memref<8x1x1024xf32, #tpu.memory_space<vmem>> -> memref<8x1024xf32, #tpu.memory_space<vmem>>
        %dma_start3A_447 = tpu.memref_reshape %arg2 : memref<4x4096x1024xf32, #tpu.memory_space<hbm>> -> memref<4x2x2048x1024xf32, #tpu.memory_space<hbm>>
        %dma_start3A_448 = arith.constant 0 : i32
        %dma_start3A_449 = tpu.memref_slice %dma_start3A_447[%select_n3A_9, %dma_start3A_433, %add3A_432, %dma_start3A_448] : memref<4x2x2048x1024xf32, #tpu.memory_space<hbm>> -> memref<1x1x8x1024xf32, #tpu.memory_space<hbm>>
        %dma_start3A_450 = tpu.memref_squeeze %dma_start3A_449 : memref<1x1x8x1024xf32, #tpu.memory_space<hbm>> -> memref<8x1024xf32, #tpu.memory_space<hbm>>
        tpu.enqueue_dma source(%dma_start3A_450 : memref<8x1024xf32, #tpu.memory_space<hbm>>) target(%dma_start3A_446 : memref<8x1024xf32, #tpu.memory_space<vmem>>) target_semaphore(%arg8 : memref<!tpu.dma_semaphore, #tpu.memory_space<semaphore_mem>>)
        %dma_start3A_451 = arith.constant 1 : i32
        %dma_start3A_452 = arith.constant 1 : i32
        %dma_start3A_453 = arith.constant 0 : i32
        %dma_start3A_454 = arith.constant 0 : i32
        %dma_start3A_455 = tpu.memref_slice %arg4[%dma_start3A_453, %dma_start3A_452, %dma_start3A_454] : memref<8x2x1024xf32, #tpu.memory_space<vmem>> -> memref<8x1x1024xf32, #tpu.memory_space<vmem>>
        %dma_start3A_456 = tpu.memref_squeeze %dma_start3A_455 : memref<8x1x1024xf32, #tpu.memory_space<vmem>> -> memref<8x1024xf32, #tpu.memory_space<vmem>>
        %dma_start3A_457 = tpu.memref_reshape %arg2 : memref<4x4096x1024xf32, #tpu.memory_space<hbm>> -> memref<4x2x2048x1024xf32, #tpu.memory_space<hbm>>
        %dma_start3A_458 = arith.constant 0 : i32
        %dma_start3A_459 = tpu.memref_slice %dma_start3A_457[%select_n3A_9, %dma_start3A_451, %add3A_432, %dma_start3A_458] : memref<4x2x2048x1024xf32, #tpu.memory_space<hbm>> -> memref<1x1x8x1024xf32, #tpu.memory_space<hbm>>
        %dma_start3A_460 = tpu.memref_squeeze %dma_start3A_459 : memref<1x1x8x1024xf32, #tpu.memory_space<hbm>> -> memref<8x1024xf32, #tpu.memory_space<hbm>>
        %dma_start3A_461 = arith.constant 0 : i32
        %dma_start3A_462 = arith.constant 0 : i32
        %dma_start3A_463 = tpu.memref_slice %arg4[%dma_start3A_461, %dma_start3A_452, %dma_start3A_462] : memref<8x2x1024xf32, #tpu.memory_space<vmem>> -> memref<8x1x1024xf32, #tpu.memory_space<vmem>>
        %dma_start3A_464 = tpu.memref_squeeze %dma_start3A_463 : memref<8x1x1024xf32, #tpu.memory_space<vmem>> -> memref<8x1024xf32, #tpu.memory_space<vmem>>
        %dma_start3A_465 = tpu.memref_reshape %arg2 : memref<4x4096x1024xf32, #tpu.memory_space<hbm>> -> memref<4x2x2048x1024xf32, #tpu.memory_space<hbm>>
        %dma_start3A_466 = arith.constant 0 : i32
        %dma_start3A_467 = tpu.memref_slice %dma_start3A_465[%select_n3A_9, %dma_start3A_451, %add3A_432, %dma_start3A_466] : memref<4x2x2048x1024xf32, #tpu.memory_space<hbm>> -> memref<1x1x8x1024xf32, #tpu.memory_space<hbm>>
        %dma_start3A_468 = tpu.memref_squeeze %dma_start3A_467 : memref<1x1x8x1024xf32, #tpu.memory_space<hbm>> -> memref<8x1024xf32, #tpu.memory_space<hbm>>
        tpu.enqueue_dma source(%dma_start3A_468 : memref<8x1024xf32, #tpu.memory_space<hbm>>) target(%dma_start3A_464 : memref<8x1024xf32, #tpu.memory_space<vmem>>) target_semaphore(%arg8 : memref<!tpu.dma_semaphore, #tpu.memory_space<semaphore_mem>>)
      } else {
      }
      %dma_wait3A_243 = arith.constant 0 : i32
      %dma_wait3A_244 = arith.constant 0 : i32
      %dma_wait3A_245 = arith.constant 0 : i32
      %dma_wait3A_246 = arith.constant 0 : i32
      %dma_wait3A_247 = tpu.memref_slice %arg5[%dma_wait3A_245, %dma_wait3A_244, %dma_wait3A_246] : memref<8x2x1024xf32, #tpu.memory_space<vmem>> -> memref<8x1x1024xf32, #tpu.memory_space<vmem>>
      %dma_wait3A_248 = tpu.memref_squeeze %dma_wait3A_247 : memref<8x1x1024xf32, #tpu.memory_space<vmem>> -> memref<8x1024xf32, #tpu.memory_space<vmem>>
      %dma_wait3A_249 = tpu.memref_reshape %arg2 : memref<4x4096x1024xf32, #tpu.memory_space<hbm>> -> memref<4x2x2048x1024xf32, #tpu.memory_space<hbm>>
      %dma_wait3A_250 = arith.constant 0 : i32
      %dma_wait3A_251 = tpu.memref_slice %dma_wait3A_249[%select_n3A_9, %dma_wait3A_243, %mul3A_32, %dma_wait3A_250] : memref<4x2x2048x1024xf32, #tpu.memory_space<hbm>> -> memref<1x1x8x1024xf32, #tpu.memory_space<hbm>>
      %dma_wait3A_252 = tpu.memref_squeeze %dma_wait3A_251 : memref<1x1x8x1024xf32, #tpu.memory_space<hbm>> -> memref<8x1024xf32, #tpu.memory_space<hbm>>
      %dma_wait3A_253 = arith.constant 0 : i32
      %dma_wait3A_254 = arith.constant 0 : i32
      %dma_wait3A_255 = tpu.memref_slice %arg5[%dma_wait3A_253, %dma_wait3A_244, %dma_wait3A_254] : memref<8x2x1024xf32, #tpu.memory_space<vmem>> -> memref<8x1x1024xf32, #tpu.memory_space<vmem>>
      %dma_wait3A_256 = tpu.memref_squeeze %dma_wait3A_255 : memref<8x1x1024xf32, #tpu.memory_space<vmem>> -> memref<8x1024xf32, #tpu.memory_space<vmem>>
      %dma_wait3A_257 = tpu.memref_reshape %arg2 : memref<4x4096x1024xf32, #tpu.memory_space<hbm>> -> memref<4x2x2048x1024xf32, #tpu.memory_space<hbm>>
      %dma_wait3A_258 = arith.constant 0 : i32
      %dma_wait3A_259 = tpu.memref_slice %dma_wait3A_257[%select_n3A_9, %dma_wait3A_243, %mul3A_32, %dma_wait3A_258] : memref<4x2x2048x1024xf32, #tpu.memory_space<hbm>> -> memref<1x1x8x1024xf32, #tpu.memory_space<hbm>>
      %dma_wait3A_260 = tpu.memref_squeeze %dma_wait3A_259 : memref<1x1x8x1024xf32, #tpu.memory_space<hbm>> -> memref<8x1024xf32, #tpu.memory_space<hbm>>
      tpu.wait_dma2 semaphore(%arg9 : memref<!tpu.dma_semaphore, #tpu.memory_space<semaphore_mem>>) src(%dma_wait3A_260 : memref<8x1024xf32, #tpu.memory_space<hbm>>) dst(%dma_wait3A_256 : memref<8x1024xf32, #tpu.memory_space<vmem>>)
      %dma_wait3A_261 = arith.constant 1 : i32
      %dma_wait3A_262 = arith.constant 1 : i32
      %dma_wait3A_263 = arith.constant 0 : i32
      %dma_wait3A_264 = arith.constant 0 : i32
      %dma_wait3A_265 = tpu.memref_slice %arg5[%dma_wait3A_263, %dma_wait3A_262, %dma_wait3A_264] : memref<8x2x1024xf32, #tpu.memory_space<vmem>> -> memref<8x1x1024xf32, #tpu.memory_space<vmem>>
      %dma_wait3A_266 = tpu.memref_squeeze %dma_wait3A_265 : memref<8x1x1024xf32, #tpu.memory_space<vmem>> -> memref<8x1024xf32, #tpu.memory_space<vmem>>
      %dma_wait3A_267 = tpu.memref_reshape %arg2 : memref<4x4096x1024xf32, #tpu.memory_space<hbm>> -> memref<4x2x2048x1024xf32, #tpu.memory_space<hbm>>
      %dma_wait3A_268 = arith.constant 0 : i32
      %dma_wait3A_269 = tpu.memref_slice %dma_wait3A_267[%select_n3A_9, %dma_wait3A_261, %mul3A_32, %dma_wait3A_268] : memref<4x2x2048x1024xf32, #tpu.memory_space<hbm>> -> memref<1x1x8x1024xf32, #tpu.memory_space<hbm>>
      %dma_wait3A_270 = tpu.memref_squeeze %dma_wait3A_269 : memref<1x1x8x1024xf32, #tpu.memory_space<hbm>> -> memref<8x1024xf32, #tpu.memory_space<hbm>>
      %dma_wait3A_271 = arith.constant 0 : i32
      %dma_wait3A_272 = arith.constant 0 : i32
      %dma_wait3A_273 = tpu.memref_slice %arg5[%dma_wait3A_271, %dma_wait3A_262, %dma_wait3A_272] : memref<8x2x1024xf32, #tpu.memory_space<vmem>> -> memref<8x1x1024xf32, #tpu.memory_space<vmem>>
      %dma_wait3A_274 = tpu.memref_squeeze %dma_wait3A_273 : memref<8x1x1024xf32, #tpu.memory_space<vmem>> -> memref<8x1024xf32, #tpu.memory_space<vmem>>
      %dma_wait3A_275 = tpu.memref_reshape %arg2 : memref<4x4096x1024xf32, #tpu.memory_space<hbm>> -> memref<4x2x2048x1024xf32, #tpu.memory_space<hbm>>
      %dma_wait3A_276 = arith.constant 0 : i32
      %dma_wait3A_277 = tpu.memref_slice %dma_wait3A_275[%select_n3A_9, %dma_wait3A_261, %mul3A_32, %dma_wait3A_276] : memref<4x2x2048x1024xf32, #tpu.memory_space<hbm>> -> memref<1x1x8x1024xf32, #tpu.memory_space<hbm>>
      %dma_wait3A_278 = tpu.memref_squeeze %dma_wait3A_277 : memref<1x1x8x1024xf32, #tpu.memory_space<hbm>> -> memref<8x1024xf32, #tpu.memory_space<hbm>>
      tpu.wait_dma2 semaphore(%arg9 : memref<!tpu.dma_semaphore, #tpu.memory_space<semaphore_mem>>) src(%dma_wait3A_278 : memref<8x1024xf32, #tpu.memory_space<hbm>>) dst(%dma_wait3A_274 : memref<8x1024xf32, #tpu.memory_space<vmem>>)
      %mul3A_279 = arith.constant 8 : i32
      %mul3A_280 = arith.muli %add3A_228, %mul3A_279 : i32
      %add3A_281 = arith.addi %mul3A_32, %mul3A_280 : i32
      %mul3A_282 = arith.constant 2 : i32
      %mul3A_283 = arith.muli %mul3A_282, %add3A_281 : i32
      %dma_start3A_284 = tpu.memref_reshape %arg5 : memref<8x2x1024xf32, #tpu.memory_space<vmem>> -> memref<16x1024xf32, #tpu.memory_space<vmem>>
      %dma_start3A_285 = arith.constant 0 : i32
      %dma_start3A_286 = tpu.memref_slice %arg3[%select_n3A_9, %mul3A_283, %dma_start3A_285] : memref<4x4096x1024xf32, #tpu.memory_space<hbm>> -> memref<1x16x1024xf32, #tpu.memory_space<hbm>>
      %dma_start3A_287 = tpu.memref_squeeze %dma_start3A_286 : memref<1x16x1024xf32, #tpu.memory_space<hbm>> -> memref<16x1024xf32, #tpu.memory_space<hbm>>
      %dma_start3A_288 = arith.constant 0 : i32
      %dma_start3A_289 = tpu.memref_slice %arg3[%select_n3A_9, %mul3A_283, %dma_start3A_288] : memref<4x4096x1024xf32, #tpu.memory_space<hbm>> -> memref<1x16x1024xf32, #tpu.memory_space<hbm>>
      %dma_start3A_290 = tpu.memref_squeeze %dma_start3A_289 : memref<1x16x1024xf32, #tpu.memory_space<hbm>> -> memref<16x1024xf32, #tpu.memory_space<hbm>>
      %dma_start3A_291 = tpu.memref_reshape %arg5 : memref<8x2x1024xf32, #tpu.memory_space<vmem>> -> memref<16x1024xf32, #tpu.memory_space<vmem>>
      tpu.enqueue_dma source(%dma_start3A_291 : memref<16x1024xf32, #tpu.memory_space<vmem>>) target(%dma_start3A_290 : memref<16x1024xf32, #tpu.memory_space<hbm>>) target_semaphore(%arg13 : memref<!tpu.dma_semaphore, #tpu.memory_space<semaphore_mem>>)
      %mul3A_292 = arith.constant 4 : i32
      %mul3A_293 = arith.muli %scan3A_160, %mul3A_292 : i32
      %add3A_294 = arith.constant 2 : i32
      %add3A_295 = arith.addi %mul3A_293, %add3A_294 : i32
      %ge3A_296 = arith.constant 1 : i32
      %ge3A_297 = arith.cmpi sge, %add3A_295, %ge3A_296 : i32
      %convert_element_type3A_298 = arith.extui %ge3A_297 : i1 to i32
      %cond3A_299 = arith.constant 0 : i32
      %cond3A_300 = arith.cmpi ne, %convert_element_type3A_298, %cond3A_299 : i32
      scf.if %cond3A_300 {
        %mul3A_426 = arith.constant 2 : i32
        %mul3A_427 = arith.muli %mul3A_426, %mul3A_32 : i32
        %dma_wait3A_428 = tpu.memref_reshape %arg5 : memref<8x2x1024xf32, #tpu.memory_space<vmem>> -> memref<16x1024xf32, #tpu.memory_space<vmem>>
        %dma_wait3A_429 = arith.constant 0 : i32
        %dma_wait3A_430 = tpu.memref_slice %arg3[%select_n3A_9, %mul3A_427, %dma_wait3A_429] : memref<4x4096x1024xf32, #tpu.memory_space<hbm>> -> memref<1x16x1024xf32, #tpu.memory_space<hbm>>
        %dma_wait3A_431 = tpu.memref_squeeze %dma_wait3A_430 : memref<1x16x1024xf32, #tpu.memory_space<hbm>> -> memref<16x1024xf32, #tpu.memory_space<hbm>>
        %dma_wait3A_432 = arith.constant 0 : i32
        %dma_wait3A_433 = tpu.memref_slice %arg3[%select_n3A_9, %mul3A_427, %dma_wait3A_432] : memref<4x4096x1024xf32, #tpu.memory_space<hbm>> -> memref<1x16x1024xf32, #tpu.memory_space<hbm>>
        %dma_wait3A_434 = tpu.memref_squeeze %dma_wait3A_433 : memref<1x16x1024xf32, #tpu.memory_space<hbm>> -> memref<16x1024xf32, #tpu.memory_space<hbm>>
        %dma_wait3A_435 = tpu.memref_reshape %arg5 : memref<8x2x1024xf32, #tpu.memory_space<vmem>> -> memref<16x1024xf32, #tpu.memory_space<vmem>>
        tpu.wait_dma2 semaphore(%arg13 : memref<!tpu.dma_semaphore, #tpu.memory_space<semaphore_mem>>) src(%dma_wait3A_435 : memref<16x1024xf32, #tpu.memory_space<vmem>>) dst(%dma_wait3A_434 : memref<16x1024xf32, #tpu.memory_space<hbm>>)
      } else {
      }
      %add3A_301 = arith.constant 4 : i32
      %add3A_302 = arith.addi %add3A_295, %add3A_301 : i32
      %sub3A_303 = arith.constant 1 : i32
      %sub3A_304 = arith.subi %add3A_302, %sub3A_303 : i32
      %lt3A_305 = arith.constant 32 : i32
      %lt3A_306 = arith.cmpi slt, %sub3A_304, %lt3A_305 : i32
      %convert_element_type3A_307 = arith.extui %lt3A_306 : i1 to i32
      %cond3A_308 = arith.constant 0 : i32
      %cond3A_309 = arith.cmpi ne, %convert_element_type3A_307, %cond3A_308 : i32
      scf.if %cond3A_309 {
        %add3A_426 = arith.constant 4 : i32
        %add3A_427 = arith.addi %add3A_295, %add3A_426 : i32
        %sub3A_428 = arith.constant 1 : i32
        %sub3A_429 = arith.subi %add3A_427, %sub3A_428 : i32
        %mul3A_430 = arith.constant 8 : i32
        %mul3A_431 = arith.muli %sub3A_429, %mul3A_430 : i32
        %add3A_432 = arith.addi %mul3A_32, %mul3A_431 : i32
        %dma_start3A_433 = arith.constant 0 : i32
        %dma_start3A_434 = arith.constant 0 : i32
        %dma_start3A_435 = arith.constant 0 : i32
        %dma_start3A_436 = arith.constant 0 : i32
        %dma_start3A_437 = tpu.memref_slice %arg5[%dma_start3A_435, %dma_start3A_434, %dma_start3A_436] : memref<8x2x1024xf32, #tpu.memory_space<vmem>> -> memref<8x1x1024xf32, #tpu.memory_space<vmem>>
        %dma_start3A_438 = tpu.memref_squeeze %dma_start3A_437 : memref<8x1x1024xf32, #tpu.memory_space<vmem>> -> memref<8x1024xf32, #tpu.memory_space<vmem>>
        %dma_start3A_439 = tpu.memref_reshape %arg2 : memref<4x4096x1024xf32, #tpu.memory_space<hbm>> -> memref<4x2x2048x1024xf32, #tpu.memory_space<hbm>>
        %dma_start3A_440 = arith.constant 0 : i32
        %dma_start3A_441 = tpu.memref_slice %dma_start3A_439[%select_n3A_9, %dma_start3A_433, %add3A_432, %dma_start3A_440] : memref<4x2x2048x1024xf32, #tpu.memory_space<hbm>> -> memref<1x1x8x1024xf32, #tpu.memory_space<hbm>>
        %dma_start3A_442 = tpu.memref_squeeze %dma_start3A_441 : memref<1x1x8x1024xf32, #tpu.memory_space<hbm>> -> memref<8x1024xf32, #tpu.memory_space<hbm>>
        %dma_start3A_443 = arith.constant 0 : i32
        %dma_start3A_444 = arith.constant 0 : i32
        %dma_start3A_445 = tpu.memref_slice %arg5[%dma_start3A_443, %dma_start3A_434, %dma_start3A_444] : memref<8x2x1024xf32, #tpu.memory_space<vmem>> -> memref<8x1x1024xf32, #tpu.memory_space<vmem>>
        %dma_start3A_446 = tpu.memref_squeeze %dma_start3A_445 : memref<8x1x1024xf32, #tpu.memory_space<vmem>> -> memref<8x1024xf32, #tpu.memory_space<vmem>>
        %dma_start3A_447 = tpu.memref_reshape %arg2 : memref<4x4096x1024xf32, #tpu.memory_space<hbm>> -> memref<4x2x2048x1024xf32, #tpu.memory_space<hbm>>
        %dma_start3A_448 = arith.constant 0 : i32
        %dma_start3A_449 = tpu.memref_slice %dma_start3A_447[%select_n3A_9, %dma_start3A_433, %add3A_432, %dma_start3A_448] : memref<4x2x2048x1024xf32, #tpu.memory_space<hbm>> -> memref<1x1x8x1024xf32, #tpu.memory_space<hbm>>
        %dma_start3A_450 = tpu.memref_squeeze %dma_start3A_449 : memref<1x1x8x1024xf32, #tpu.memory_space<hbm>> -> memref<8x1024xf32, #tpu.memory_space<hbm>>
        tpu.enqueue_dma source(%dma_start3A_450 : memref<8x1024xf32, #tpu.memory_space<hbm>>) target(%dma_start3A_446 : memref<8x1024xf32, #tpu.memory_space<vmem>>) target_semaphore(%arg9 : memref<!tpu.dma_semaphore, #tpu.memory_space<semaphore_mem>>)
        %dma_start3A_451 = arith.constant 1 : i32
        %dma_start3A_452 = arith.constant 1 : i32
        %dma_start3A_453 = arith.constant 0 : i32
        %dma_start3A_454 = arith.constant 0 : i32
        %dma_start3A_455 = tpu.memref_slice %arg5[%dma_start3A_453, %dma_start3A_452, %dma_start3A_454] : memref<8x2x1024xf32, #tpu.memory_space<vmem>> -> memref<8x1x1024xf32, #tpu.memory_space<vmem>>
        %dma_start3A_456 = tpu.memref_squeeze %dma_start3A_455 : memref<8x1x1024xf32, #tpu.memory_space<vmem>> -> memref<8x1024xf32, #tpu.memory_space<vmem>>
        %dma_start3A_457 = tpu.memref_reshape %arg2 : memref<4x4096x1024xf32, #tpu.memory_space<hbm>> -> memref<4x2x2048x1024xf32, #tpu.memory_space<hbm>>
        %dma_start3A_458 = arith.constant 0 : i32
        %dma_start3A_459 = tpu.memref_slice %dma_start3A_457[%select_n3A_9, %dma_start3A_451, %add3A_432, %dma_start3A_458] : memref<4x2x2048x1024xf32, #tpu.memory_space<hbm>> -> memref<1x1x8x1024xf32, #tpu.memory_space<hbm>>
        %dma_start3A_460 = tpu.memref_squeeze %dma_start3A_459 : memref<1x1x8x1024xf32, #tpu.memory_space<hbm>> -> memref<8x1024xf32, #tpu.memory_space<hbm>>
        %dma_start3A_461 = arith.constant 0 : i32
        %dma_start3A_462 = arith.constant 0 : i32
        %dma_start3A_463 = tpu.memref_slice %arg5[%dma_start3A_461, %dma_start3A_452, %dma_start3A_462] : memref<8x2x1024xf32, #tpu.memory_space<vmem>> -> memref<8x1x1024xf32, #tpu.memory_space<vmem>>
        %dma_start3A_464 = tpu.memref_squeeze %dma_start3A_463 : memref<8x1x1024xf32, #tpu.memory_space<vmem>> -> memref<8x1024xf32, #tpu.memory_space<vmem>>
        %dma_start3A_465 = tpu.memref_reshape %arg2 : memref<4x4096x1024xf32, #tpu.memory_space<hbm>> -> memref<4x2x2048x1024xf32, #tpu.memory_space<hbm>>
        %dma_start3A_466 = arith.constant 0 : i32
        %dma_start3A_467 = tpu.memref_slice %dma_start3A_465[%select_n3A_9, %dma_start3A_451, %add3A_432, %dma_start3A_466] : memref<4x2x2048x1024xf32, #tpu.memory_space<hbm>> -> memref<1x1x8x1024xf32, #tpu.memory_space<hbm>>
        %dma_start3A_468 = tpu.memref_squeeze %dma_start3A_467 : memref<1x1x8x1024xf32, #tpu.memory_space<hbm>> -> memref<8x1024xf32, #tpu.memory_space<hbm>>
        tpu.enqueue_dma source(%dma_start3A_468 : memref<8x1024xf32, #tpu.memory_space<hbm>>) target(%dma_start3A_464 : memref<8x1024xf32, #tpu.memory_space<vmem>>) target_semaphore(%arg9 : memref<!tpu.dma_semaphore, #tpu.memory_space<semaphore_mem>>)
      } else {
      }
      %dma_wait3A_310 = arith.constant 0 : i32
      %dma_wait3A_311 = arith.constant 0 : i32
      %dma_wait3A_312 = arith.constant 0 : i32
      %dma_wait3A_313 = arith.constant 0 : i32
      %dma_wait3A_314 = tpu.memref_slice %arg6[%dma_wait3A_312, %dma_wait3A_311, %dma_wait3A_313] : memref<8x2x1024xf32, #tpu.memory_space<vmem>> -> memref<8x1x1024xf32, #tpu.memory_space<vmem>>
      %dma_wait3A_315 = tpu.memref_squeeze %dma_wait3A_314 : memref<8x1x1024xf32, #tpu.memory_space<vmem>> -> memref<8x1024xf32, #tpu.memory_space<vmem>>
      %dma_wait3A_316 = tpu.memref_reshape %arg2 : memref<4x4096x1024xf32, #tpu.memory_space<hbm>> -> memref<4x2x2048x1024xf32, #tpu.memory_space<hbm>>
      %dma_wait3A_317 = arith.constant 0 : i32
      %dma_wait3A_318 = tpu.memref_slice %dma_wait3A_316[%select_n3A_9, %dma_wait3A_310, %mul3A_32, %dma_wait3A_317] : memref<4x2x2048x1024xf32, #tpu.memory_space<hbm>> -> memref<1x1x8x1024xf32, #tpu.memory_space<hbm>>
      %dma_wait3A_319 = tpu.memref_squeeze %dma_wait3A_318 : memref<1x1x8x1024xf32, #tpu.memory_space<hbm>> -> memref<8x1024xf32, #tpu.memory_space<hbm>>
      %dma_wait3A_320 = arith.constant 0 : i32
      %dma_wait3A_321 = arith.constant 0 : i32
      %dma_wait3A_322 = tpu.memref_slice %arg6[%dma_wait3A_320, %dma_wait3A_311, %dma_wait3A_321] : memref<8x2x1024xf32, #tpu.memory_space<vmem>> -> memref<8x1x1024xf32, #tpu.memory_space<vmem>>
      %dma_wait3A_323 = tpu.memref_squeeze %dma_wait3A_322 : memref<8x1x1024xf32, #tpu.memory_space<vmem>> -> memref<8x1024xf32, #tpu.memory_space<vmem>>
      %dma_wait3A_324 = tpu.memref_reshape %arg2 : memref<4x4096x1024xf32, #tpu.memory_space<hbm>> -> memref<4x2x2048x1024xf32, #tpu.memory_space<hbm>>
      %dma_wait3A_325 = arith.constant 0 : i32
      %dma_wait3A_326 = tpu.memref_slice %dma_wait3A_324[%select_n3A_9, %dma_wait3A_310, %mul3A_32, %dma_wait3A_325] : memref<4x2x2048x1024xf32, #tpu.memory_space<hbm>> -> memref<1x1x8x1024xf32, #tpu.memory_space<hbm>>
      %dma_wait3A_327 = tpu.memref_squeeze %dma_wait3A_326 : memref<1x1x8x1024xf32, #tpu.memory_space<hbm>> -> memref<8x1024xf32, #tpu.memory_space<hbm>>
      tpu.wait_dma2 semaphore(%arg10 : memref<!tpu.dma_semaphore, #tpu.memory_space<semaphore_mem>>) src(%dma_wait3A_327 : memref<8x1024xf32, #tpu.memory_space<hbm>>) dst(%dma_wait3A_323 : memref<8x1024xf32, #tpu.memory_space<vmem>>)
      %dma_wait3A_328 = arith.constant 1 : i32
      %dma_wait3A_329 = arith.constant 1 : i32
      %dma_wait3A_330 = arith.constant 0 : i32
      %dma_wait3A_331 = arith.constant 0 : i32
      %dma_wait3A_332 = tpu.memref_slice %arg6[%dma_wait3A_330, %dma_wait3A_329, %dma_wait3A_331] : memref<8x2x1024xf32, #tpu.memory_space<vmem>> -> memref<8x1x1024xf32, #tpu.memory_space<vmem>>
      %dma_wait3A_333 = tpu.memref_squeeze %dma_wait3A_332 : memref<8x1x1024xf32, #tpu.memory_space<vmem>> -> memref<8x1024xf32, #tpu.memory_space<vmem>>
      %dma_wait3A_334 = tpu.memref_reshape %arg2 : memref<4x4096x1024xf32, #tpu.memory_space<hbm>> -> memref<4x2x2048x1024xf32, #tpu.memory_space<hbm>>
      %dma_wait3A_335 = arith.constant 0 : i32
      %dma_wait3A_336 = tpu.memref_slice %dma_wait3A_334[%select_n3A_9, %dma_wait3A_328, %mul3A_32, %dma_wait3A_335] : memref<4x2x2048x1024xf32, #tpu.memory_space<hbm>> -> memref<1x1x8x1024xf32, #tpu.memory_space<hbm>>
      %dma_wait3A_337 = tpu.memref_squeeze %dma_wait3A_336 : memref<1x1x8x1024xf32, #tpu.memory_space<hbm>> -> memref<8x1024xf32, #tpu.memory_space<hbm>>
      %dma_wait3A_338 = arith.constant 0 : i32
      %dma_wait3A_339 = arith.constant 0 : i32
      %dma_wait3A_340 = tpu.memref_slice %arg6[%dma_wait3A_338, %dma_wait3A_329, %dma_wait3A_339] : memref<8x2x1024xf32, #tpu.memory_space<vmem>> -> memref<8x1x1024xf32, #tpu.memory_space<vmem>>
      %dma_wait3A_341 = tpu.memref_squeeze %dma_wait3A_340 : memref<8x1x1024xf32, #tpu.memory_space<vmem>> -> memref<8x1024xf32, #tpu.memory_space<vmem>>
      %dma_wait3A_342 = tpu.memref_reshape %arg2 : memref<4x4096x1024xf32, #tpu.memory_space<hbm>> -> memref<4x2x2048x1024xf32, #tpu.memory_space<hbm>>
      %dma_wait3A_343 = arith.constant 0 : i32
      %dma_wait3A_344 = tpu.memref_slice %dma_wait3A_342[%select_n3A_9, %dma_wait3A_328, %mul3A_32, %dma_wait3A_343] : memref<4x2x2048x1024xf32, #tpu.memory_space<hbm>> -> memref<1x1x8x1024xf32, #tpu.memory_space<hbm>>
      %dma_wait3A_345 = tpu.memref_squeeze %dma_wait3A_344 : memref<1x1x8x1024xf32, #tpu.memory_space<hbm>> -> memref<8x1024xf32, #tpu.memory_space<hbm>>
      tpu.wait_dma2 semaphore(%arg10 : memref<!tpu.dma_semaphore, #tpu.memory_space<semaphore_mem>>) src(%dma_wait3A_345 : memref<8x1024xf32, #tpu.memory_space<hbm>>) dst(%dma_wait3A_341 : memref<8x1024xf32, #tpu.memory_space<vmem>>)
      %mul3A_346 = arith.constant 8 : i32
      %mul3A_347 = arith.muli %add3A_295, %mul3A_346 : i32
      %add3A_348 = arith.addi %mul3A_32, %mul3A_347 : i32
      %mul3A_349 = arith.constant 2 : i32
      %mul3A_350 = arith.muli %mul3A_349, %add3A_348 : i32
      %dma_start3A_351 = tpu.memref_reshape %arg6 : memref<8x2x1024xf32, #tpu.memory_space<vmem>> -> memref<16x1024xf32, #tpu.memory_space<vmem>>
      %dma_start3A_352 = arith.constant 0 : i32
      %dma_start3A_353 = tpu.memref_slice %arg3[%select_n3A_9, %mul3A_350, %dma_start3A_352] : memref<4x4096x1024xf32, #tpu.memory_space<hbm>> -> memref<1x16x1024xf32, #tpu.memory_space<hbm>>
      %dma_start3A_354 = tpu.memref_squeeze %dma_start3A_353 : memref<1x16x1024xf32, #tpu.memory_space<hbm>> -> memref<16x1024xf32, #tpu.memory_space<hbm>>
      %dma_start3A_355 = arith.constant 0 : i32
      %dma_start3A_356 = tpu.memref_slice %arg3[%select_n3A_9, %mul3A_350, %dma_start3A_355] : memref<4x4096x1024xf32, #tpu.memory_space<hbm>> -> memref<1x16x1024xf32, #tpu.memory_space<hbm>>
      %dma_start3A_357 = tpu.memref_squeeze %dma_start3A_356 : memref<1x16x1024xf32, #tpu.memory_space<hbm>> -> memref<16x1024xf32, #tpu.memory_space<hbm>>
      %dma_start3A_358 = tpu.memref_reshape %arg6 : memref<8x2x1024xf32, #tpu.memory_space<vmem>> -> memref<16x1024xf32, #tpu.memory_space<vmem>>
      tpu.enqueue_dma source(%dma_start3A_358 : memref<16x1024xf32, #tpu.memory_space<vmem>>) target(%dma_start3A_357 : memref<16x1024xf32, #tpu.memory_space<hbm>>) target_semaphore(%arg14 : memref<!tpu.dma_semaphore, #tpu.memory_space<semaphore_mem>>)
      %mul3A_359 = arith.constant 4 : i32
      %mul3A_360 = arith.muli %scan3A_160, %mul3A_359 : i32
      %add3A_361 = arith.constant 3 : i32
      %add3A_362 = arith.addi %mul3A_360, %add3A_361 : i32
      %ge3A_363 = arith.constant 1 : i32
      %ge3A_364 = arith.cmpi sge, %add3A_362, %ge3A_363 : i32
      %convert_element_type3A_365 = arith.extui %ge3A_364 : i1 to i32
      %cond3A_366 = arith.constant 0 : i32
      %cond3A_367 = arith.cmpi ne, %convert_element_type3A_365, %cond3A_366 : i32
      scf.if %cond3A_367 {
        %mul3A_426 = arith.constant 2 : i32
        %mul3A_427 = arith.muli %mul3A_426, %mul3A_32 : i32
        %dma_wait3A_428 = tpu.memref_reshape %arg6 : memref<8x2x1024xf32, #tpu.memory_space<vmem>> -> memref<16x1024xf32, #tpu.memory_space<vmem>>
        %dma_wait3A_429 = arith.constant 0 : i32
        %dma_wait3A_430 = tpu.memref_slice %arg3[%select_n3A_9, %mul3A_427, %dma_wait3A_429] : memref<4x4096x1024xf32, #tpu.memory_space<hbm>> -> memref<1x16x1024xf32, #tpu.memory_space<hbm>>
        %dma_wait3A_431 = tpu.memref_squeeze %dma_wait3A_430 : memref<1x16x1024xf32, #tpu.memory_space<hbm>> -> memref<16x1024xf32, #tpu.memory_space<hbm>>
        %dma_wait3A_432 = arith.constant 0 : i32
        %dma_wait3A_433 = tpu.memref_slice %arg3[%select_n3A_9, %mul3A_427, %dma_wait3A_432] : memref<4x4096x1024xf32, #tpu.memory_space<hbm>> -> memref<1x16x1024xf32, #tpu.memory_space<hbm>>
        %dma_wait3A_434 = tpu.memref_squeeze %dma_wait3A_433 : memref<1x16x1024xf32, #tpu.memory_space<hbm>> -> memref<16x1024xf32, #tpu.memory_space<hbm>>
        %dma_wait3A_435 = tpu.memref_reshape %arg6 : memref<8x2x1024xf32, #tpu.memory_space<vmem>> -> memref<16x1024xf32, #tpu.memory_space<vmem>>
        tpu.wait_dma2 semaphore(%arg14 : memref<!tpu.dma_semaphore, #tpu.memory_space<semaphore_mem>>) src(%dma_wait3A_435 : memref<16x1024xf32, #tpu.memory_space<vmem>>) dst(%dma_wait3A_434 : memref<16x1024xf32, #tpu.memory_space<hbm>>)
      } else {
      }
      %add3A_368 = arith.constant 4 : i32
      %add3A_369 = arith.addi %add3A_362, %add3A_368 : i32
      %sub3A_370 = arith.constant 1 : i32
      %sub3A_371 = arith.subi %add3A_369, %sub3A_370 : i32
      %lt3A_372 = arith.constant 32 : i32
      %lt3A_373 = arith.cmpi slt, %sub3A_371, %lt3A_372 : i32
      %convert_element_type3A_374 = arith.extui %lt3A_373 : i1 to i32
      %cond3A_375 = arith.constant 0 : i32
      %cond3A_376 = arith.cmpi ne, %convert_element_type3A_374, %cond3A_375 : i32
      scf.if %cond3A_376 {
        %add3A_426 = arith.constant 4 : i32
        %add3A_427 = arith.addi %add3A_362, %add3A_426 : i32
        %sub3A_428 = arith.constant 1 : i32
        %sub3A_429 = arith.subi %add3A_427, %sub3A_428 : i32
        %mul3A_430 = arith.constant 8 : i32
        %mul3A_431 = arith.muli %sub3A_429, %mul3A_430 : i32
        %add3A_432 = arith.addi %mul3A_32, %mul3A_431 : i32
        %dma_start3A_433 = arith.constant 0 : i32
        %dma_start3A_434 = arith.constant 0 : i32
        %dma_start3A_435 = arith.constant 0 : i32
        %dma_start3A_436 = arith.constant 0 : i32
        %dma_start3A_437 = tpu.memref_slice %arg6[%dma_start3A_435, %dma_start3A_434, %dma_start3A_436] : memref<8x2x1024xf32, #tpu.memory_space<vmem>> -> memref<8x1x1024xf32, #tpu.memory_space<vmem>>
        %dma_start3A_438 = tpu.memref_squeeze %dma_start3A_437 : memref<8x1x1024xf32, #tpu.memory_space<vmem>> -> memref<8x1024xf32, #tpu.memory_space<vmem>>
        %dma_start3A_439 = tpu.memref_reshape %arg2 : memref<4x4096x1024xf32, #tpu.memory_space<hbm>> -> memref<4x2x2048x1024xf32, #tpu.memory_space<hbm>>
        %dma_start3A_440 = arith.constant 0 : i32
        %dma_start3A_441 = tpu.memref_slice %dma_start3A_439[%select_n3A_9, %dma_start3A_433, %add3A_432, %dma_start3A_440] : memref<4x2x2048x1024xf32, #tpu.memory_space<hbm>> -> memref<1x1x8x1024xf32, #tpu.memory_space<hbm>>
        %dma_start3A_442 = tpu.memref_squeeze %dma_start3A_441 : memref<1x1x8x1024xf32, #tpu.memory_space<hbm>> -> memref<8x1024xf32, #tpu.memory_space<hbm>>
        %dma_start3A_443 = arith.constant 0 : i32
        %dma_start3A_444 = arith.constant 0 : i32
        %dma_start3A_445 = tpu.memref_slice %arg6[%dma_start3A_443, %dma_start3A_434, %dma_start3A_444] : memref<8x2x1024xf32, #tpu.memory_space<vmem>> -> memref<8x1x1024xf32, #tpu.memory_space<vmem>>
        %dma_start3A_446 = tpu.memref_squeeze %dma_start3A_445 : memref<8x1x1024xf32, #tpu.memory_space<vmem>> -> memref<8x1024xf32, #tpu.memory_space<vmem>>
        %dma_start3A_447 = tpu.memref_reshape %arg2 : memref<4x4096x1024xf32, #tpu.memory_space<hbm>> -> memref<4x2x2048x1024xf32, #tpu.memory_space<hbm>>
        %dma_start3A_448 = arith.constant 0 : i32
        %dma_start3A_449 = tpu.memref_slice %dma_start3A_447[%select_n3A_9, %dma_start3A_433, %add3A_432, %dma_start3A_448] : memref<4x2x2048x1024xf32, #tpu.memory_space<hbm>> -> memref<1x1x8x1024xf32, #tpu.memory_space<hbm>>
        %dma_start3A_450 = tpu.memref_squeeze %dma_start3A_449 : memref<1x1x8x1024xf32, #tpu.memory_space<hbm>> -> memref<8x1024xf32, #tpu.memory_space<hbm>>
        tpu.enqueue_dma source(%dma_start3A_450 : memref<8x1024xf32, #tpu.memory_space<hbm>>) target(%dma_start3A_446 : memref<8x1024xf32, #tpu.memory_space<vmem>>) target_semaphore(%arg10 : memref<!tpu.dma_semaphore, #tpu.memory_space<semaphore_mem>>)
        %dma_start3A_451 = arith.constant 1 : i32
        %dma_start3A_452 = arith.constant 1 : i32
        %dma_start3A_453 = arith.constant 0 : i32
        %dma_start3A_454 = arith.constant 0 : i32
        %dma_start3A_455 = tpu.memref_slice %arg6[%dma_start3A_453, %dma_start3A_452, %dma_start3A_454] : memref<8x2x1024xf32, #tpu.memory_space<vmem>> -> memref<8x1x1024xf32, #tpu.memory_space<vmem>>
        %dma_start3A_456 = tpu.memref_squeeze %dma_start3A_455 : memref<8x1x1024xf32, #tpu.memory_space<vmem>> -> memref<8x1024xf32, #tpu.memory_space<vmem>>
        %dma_start3A_457 = tpu.memref_reshape %arg2 : memref<4x4096x1024xf32, #tpu.memory_space<hbm>> -> memref<4x2x2048x1024xf32, #tpu.memory_space<hbm>>
        %dma_start3A_458 = arith.constant 0 : i32
        %dma_start3A_459 = tpu.memref_slice %dma_start3A_457[%select_n3A_9, %dma_start3A_451, %add3A_432, %dma_start3A_458] : memref<4x2x2048x1024xf32, #tpu.memory_space<hbm>> -> memref<1x1x8x1024xf32, #tpu.memory_space<hbm>>
        %dma_start3A_460 = tpu.memref_squeeze %dma_start3A_459 : memref<1x1x8x1024xf32, #tpu.memory_space<hbm>> -> memref<8x1024xf32, #tpu.memory_space<hbm>>
        %dma_start3A_461 = arith.constant 0 : i32
        %dma_start3A_462 = arith.constant 0 : i32
        %dma_start3A_463 = tpu.memref_slice %arg6[%dma_start3A_461, %dma_start3A_452, %dma_start3A_462] : memref<8x2x1024xf32, #tpu.memory_space<vmem>> -> memref<8x1x1024xf32, #tpu.memory_space<vmem>>
        %dma_start3A_464 = tpu.memref_squeeze %dma_start3A_463 : memref<8x1x1024xf32, #tpu.memory_space<vmem>> -> memref<8x1024xf32, #tpu.memory_space<vmem>>
        %dma_start3A_465 = tpu.memref_reshape %arg2 : memref<4x4096x1024xf32, #tpu.memory_space<hbm>> -> memref<4x2x2048x1024xf32, #tpu.memory_space<hbm>>
        %dma_start3A_466 = arith.constant 0 : i32
        %dma_start3A_467 = tpu.memref_slice %dma_start3A_465[%select_n3A_9, %dma_start3A_451, %add3A_432, %dma_start3A_466] : memref<4x2x2048x1024xf32, #tpu.memory_space<hbm>> -> memref<1x1x8x1024xf32, #tpu.memory_space<hbm>>
        %dma_start3A_468 = tpu.memref_squeeze %dma_start3A_467 : memref<1x1x8x1024xf32, #tpu.memory_space<hbm>> -> memref<8x1024xf32, #tpu.memory_space<hbm>>
        tpu.enqueue_dma source(%dma_start3A_468 : memref<8x1024xf32, #tpu.memory_space<hbm>>) target(%dma_start3A_464 : memref<8x1024xf32, #tpu.memory_space<vmem>>) target_semaphore(%arg10 : memref<!tpu.dma_semaphore, #tpu.memory_space<semaphore_mem>>)
      } else {
      }
      %dma_wait3A_377 = arith.constant 0 : i32
      %dma_wait3A_378 = arith.constant 0 : i32
      %dma_wait3A_379 = arith.constant 0 : i32
      %dma_wait3A_380 = arith.constant 0 : i32
      %dma_wait3A_381 = tpu.memref_slice %arg7[%dma_wait3A_379, %dma_wait3A_378, %dma_wait3A_380] : memref<8x2x1024xf32, #tpu.memory_space<vmem>> -> memref<8x1x1024xf32, #tpu.memory_space<vmem>>
      %dma_wait3A_382 = tpu.memref_squeeze %dma_wait3A_381 : memref<8x1x1024xf32, #tpu.memory_space<vmem>> -> memref<8x1024xf32, #tpu.memory_space<vmem>>
      %dma_wait3A_383 = tpu.memref_reshape %arg2 : memref<4x4096x1024xf32, #tpu.memory_space<hbm>> -> memref<4x2x2048x1024xf32, #tpu.memory_space<hbm>>
      %dma_wait3A_384 = arith.constant 0 : i32
      %dma_wait3A_385 = tpu.memref_slice %dma_wait3A_383[%select_n3A_9, %dma_wait3A_377, %mul3A_32, %dma_wait3A_384] : memref<4x2x2048x1024xf32, #tpu.memory_space<hbm>> -> memref<1x1x8x1024xf32, #tpu.memory_space<hbm>>
      %dma_wait3A_386 = tpu.memref_squeeze %dma_wait3A_385 : memref<1x1x8x1024xf32, #tpu.memory_space<hbm>> -> memref<8x1024xf32, #tpu.memory_space<hbm>>
      %dma_wait3A_387 = arith.constant 0 : i32
      %dma_wait3A_388 = arith.constant 0 : i32
      %dma_wait3A_389 = tpu.memref_slice %arg7[%dma_wait3A_387, %dma_wait3A_378, %dma_wait3A_388] : memref<8x2x1024xf32, #tpu.memory_space<vmem>> -> memref<8x1x1024xf32, #tpu.memory_space<vmem>>
      %dma_wait3A_390 = tpu.memref_squeeze %dma_wait3A_389 : memref<8x1x1024xf32, #tpu.memory_space<vmem>> -> memref<8x1024xf32, #tpu.memory_space<vmem>>
      %dma_wait3A_391 = tpu.memref_reshape %arg2 : memref<4x4096x1024xf32, #tpu.memory_space<hbm>> -> memref<4x2x2048x1024xf32, #tpu.memory_space<hbm>>
      %dma_wait3A_392 = arith.constant 0 : i32
      %dma_wait3A_393 = tpu.memref_slice %dma_wait3A_391[%select_n3A_9, %dma_wait3A_377, %mul3A_32, %dma_wait3A_392] : memref<4x2x2048x1024xf32, #tpu.memory_space<hbm>> -> memref<1x1x8x1024xf32, #tpu.memory_space<hbm>>
      %dma_wait3A_394 = tpu.memref_squeeze %dma_wait3A_393 : memref<1x1x8x1024xf32, #tpu.memory_space<hbm>> -> memref<8x1024xf32, #tpu.memory_space<hbm>>
      tpu.wait_dma2 semaphore(%arg11 : memref<!tpu.dma_semaphore, #tpu.memory_space<semaphore_mem>>) src(%dma_wait3A_394 : memref<8x1024xf32, #tpu.memory_space<hbm>>) dst(%dma_wait3A_390 : memref<8x1024xf32, #tpu.memory_space<vmem>>)
      %dma_wait3A_395 = arith.constant 1 : i32
      %dma_wait3A_396 = arith.constant 1 : i32
      %dma_wait3A_397 = arith.constant 0 : i32
      %dma_wait3A_398 = arith.constant 0 : i32
      %dma_wait3A_399 = tpu.memref_slice %arg7[%dma_wait3A_397, %dma_wait3A_396, %dma_wait3A_398] : memref<8x2x1024xf32, #tpu.memory_space<vmem>> -> memref<8x1x1024xf32, #tpu.memory_space<vmem>>
      %dma_wait3A_400 = tpu.memref_squeeze %dma_wait3A_399 : memref<8x1x1024xf32, #tpu.memory_space<vmem>> -> memref<8x1024xf32, #tpu.memory_space<vmem>>
      %dma_wait3A_401 = tpu.memref_reshape %arg2 : memref<4x4096x1024xf32, #tpu.memory_space<hbm>> -> memref<4x2x2048x1024xf32, #tpu.memory_space<hbm>>
      %dma_wait3A_402 = arith.constant 0 : i32
      %dma_wait3A_403 = tpu.memref_slice %dma_wait3A_401[%select_n3A_9, %dma_wait3A_395, %mul3A_32, %dma_wait3A_402] : memref<4x2x2048x1024xf32, #tpu.memory_space<hbm>> -> memref<1x1x8x1024xf32, #tpu.memory_space<hbm>>
      %dma_wait3A_404 = tpu.memref_squeeze %dma_wait3A_403 : memref<1x1x8x1024xf32, #tpu.memory_space<hbm>> -> memref<8x1024xf32, #tpu.memory_space<hbm>>
      %dma_wait3A_405 = arith.constant 0 : i32
      %dma_wait3A_406 = arith.constant 0 : i32
      %dma_wait3A_407 = tpu.memref_slice %arg7[%dma_wait3A_405, %dma_wait3A_396, %dma_wait3A_406] : memref<8x2x1024xf32, #tpu.memory_space<vmem>> -> memref<8x1x1024xf32, #tpu.memory_space<vmem>>
      %dma_wait3A_408 = tpu.memref_squeeze %dma_wait3A_407 : memref<8x1x1024xf32, #tpu.memory_space<vmem>> -> memref<8x1024xf32, #tpu.memory_space<vmem>>
      %dma_wait3A_409 = tpu.memref_reshape %arg2 : memref<4x4096x1024xf32, #tpu.memory_space<hbm>> -> memref<4x2x2048x1024xf32, #tpu.memory_space<hbm>>
      %dma_wait3A_410 = arith.constant 0 : i32
      %dma_wait3A_411 = tpu.memref_slice %dma_wait3A_409[%select_n3A_9, %dma_wait3A_395, %mul3A_32, %dma_wait3A_410] : memref<4x2x2048x1024xf32, #tpu.memory_space<hbm>> -> memref<1x1x8x1024xf32, #tpu.memory_space<hbm>>
      %dma_wait3A_412 = tpu.memref_squeeze %dma_wait3A_411 : memref<1x1x8x1024xf32, #tpu.memory_space<hbm>> -> memref<8x1024xf32, #tpu.memory_space<hbm>>
      tpu.wait_dma2 semaphore(%arg11 : memref<!tpu.dma_semaphore, #tpu.memory_space<semaphore_mem>>) src(%dma_wait3A_412 : memref<8x1024xf32, #tpu.memory_space<hbm>>) dst(%dma_wait3A_408 : memref<8x1024xf32, #tpu.memory_space<vmem>>)
      %mul3A_413 = arith.constant 8 : i32
      %mul3A_414 = arith.muli %add3A_362, %mul3A_413 : i32
      %add3A_415 = arith.addi %mul3A_32, %mul3A_414 : i32
      %mul3A_416 = arith.constant 2 : i32
      %mul3A_417 = arith.muli %mul3A_416, %add3A_415 : i32
      %dma_start3A_418 = tpu.memref_reshape %arg7 : memref<8x2x1024xf32, #tpu.memory_space<vmem>> -> memref<16x1024xf32, #tpu.memory_space<vmem>>
      %dma_start3A_419 = arith.constant 0 : i32
      %dma_start3A_420 = tpu.memref_slice %arg3[%select_n3A_9, %mul3A_417, %dma_start3A_419] : memref<4x4096x1024xf32, #tpu.memory_space<hbm>> -> memref<1x16x1024xf32, #tpu.memory_space<hbm>>
      %dma_start3A_421 = tpu.memref_squeeze %dma_start3A_420 : memref<1x16x1024xf32, #tpu.memory_space<hbm>> -> memref<16x1024xf32, #tpu.memory_space<hbm>>
      %dma_start3A_422 = arith.constant 0 : i32
      %dma_start3A_423 = tpu.memref_slice %arg3[%select_n3A_9, %mul3A_417, %dma_start3A_422] : memref<4x4096x1024xf32, #tpu.memory_space<hbm>> -> memref<1x16x1024xf32, #tpu.memory_space<hbm>>
      %dma_start3A_424 = tpu.memref_squeeze %dma_start3A_423 : memref<1x16x1024xf32, #tpu.memory_space<hbm>> -> memref<16x1024xf32, #tpu.memory_space<hbm>>
      %dma_start3A_425 = tpu.memref_reshape %arg7 : memref<8x2x1024xf32, #tpu.memory_space<vmem>> -> memref<16x1024xf32, #tpu.memory_space<vmem>>
      tpu.enqueue_dma source(%dma_start3A_425 : memref<16x1024xf32, #tpu.memory_space<vmem>>) target(%dma_start3A_424 : memref<16x1024xf32, #tpu.memory_space<hbm>>) target_semaphore(%arg15 : memref<!tpu.dma_semaphore, #tpu.memory_space<semaphore_mem>>)
    }
    %scan3A_150 = arith.constant 8 : i32
    %mul3A_151 = arith.constant 2 : i32
    %mul3A_152 = arith.muli %mul3A_151, %mul3A_32 : i32
    %dma_wait3A = tpu.memref_reshape %arg7 : memref<8x2x1024xf32, #tpu.memory_space<vmem>> -> memref<16x1024xf32, #tpu.memory_space<vmem>>
    %dma_wait3A_153 = arith.constant 0 : i32
    %dma_wait3A_154 = tpu.memref_slice %arg3[%select_n3A_9, %mul3A_152, %dma_wait3A_153] : memref<4x4096x1024xf32, #tpu.memory_space<hbm>> -> memref<1x16x1024xf32, #tpu.memory_space<hbm>>
    %dma_wait3A_155 = tpu.memref_squeeze %dma_wait3A_154 : memref<1x16x1024xf32, #tpu.memory_space<hbm>> -> memref<16x1024xf32, #tpu.memory_space<hbm>>
    %dma_wait3A_156 = arith.constant 0 : i32
    %dma_wait3A_157 = tpu.memref_slice %arg3[%select_n3A_9, %mul3A_152, %dma_wait3A_156] : memref<4x4096x1024xf32, #tpu.memory_space<hbm>> -> memref<1x16x1024xf32, #tpu.memory_space<hbm>>
    %dma_wait3A_158 = tpu.memref_squeeze %dma_wait3A_157 : memref<1x16x1024xf32, #tpu.memory_space<hbm>> -> memref<16x1024xf32, #tpu.memory_space<hbm>>
    %dma_wait3A_159 = tpu.memref_reshape %arg7 : memref<8x2x1024xf32, #tpu.memory_space<vmem>> -> memref<16x1024xf32, #tpu.memory_space<vmem>>
    tpu.wait_dma2 semaphore(%arg15 : memref<!tpu.dma_semaphore, #tpu.memory_space<semaphore_mem>>) src(%dma_wait3A_159 : memref<16x1024xf32, #tpu.memory_space<vmem>>) dst(%dma_wait3A_158 : memref<16x1024xf32, #tpu.memory_space<hbm>>)
    return
  }
}

</mosaic_0001>

<sc_bundles>
// kernel: kernel.3.cloned.1.call-start
scs
__scs_entry_jumppad:
0x0: {  	(pc) =	sbr.rel $0x88, $3  }
0x1: {  	(tag) =	ssettag $0x0;
	lr =	simm.s32 $0x1  }
0x2: {  	[smem:$0x3FA0] =	sst lr;
	_ =	strace $0xD0000000  }
0x3: {  	_ = 	snop  }
0x4: {  	_ = 	snop  }
0x5: {  	_ = 	snop  }
0x6: {  	_ = 	snop  }
0x7: {  	_ = 	snop  }
__scs_overlays_trampoline_lowered:
0x8: {  	[smem:$0x3FAF] =	sst s0  }
0x9: {  	[smem:$0x3FB0] =	sst s1  }
0xa: {  	[smem:$0x3FB1] =	sst s2  }
0xb: {  	[smem:$0x3FB2] =	sst s3  }
0xc: {  	[smem:$0x3FB3] =	sst s4  }
0xd: {  	[smem:$0x3FB4] =	sst s5  }
0xe: {  	[smem:$0x3FB5] =	sst s6  }
0xf: {  	[smem:$0x3FB6] =	sst s7  }
0x10: {  	[smem:$0x3FB7] =	sst s8  }
0x11: {  	[smem:$0x3FB8] =	sst s9;
	s0 =	simm.s32 @!p0 $0x0  }
0x12: {  	s1 =	sld [smem:$0x3F9E];
	s0 =	simm.s32 @p0 $0x1  }
0x13: {  	[smem:$0x3FB9] =	sst s0;
	s0 =	simm.s32 @!p1 $0x0  }
0x14: {  	s2 =	sld [smem:$0x3F9D];
	s0 =	simm.s32 @p1 $0x1  }
0x15: {  	[smem:$0x3FBA] =	sst s0;
	s0 =	simm.s32 @!p2 $0x0  }
0x16: {  	s3 =	sld [smem:$0x3FDB];
	s0 =	simm.s32 @p2 $0x1  }
0x17: {  	s4 =	simm.s32 $0x1BF5;
	[smem:$0x3FBC] =	sst s0  }
0x18: {  	s0 =	sld [smem:$0x3F9F];
	_ =	swait.ge [sflag:s4], $0x0  }
0x19: {  	s7 =	sld [smem:$0x3FA0]  }
0x1a: {  	s8 =	sadd.s32 $0xFFFFE003, lr  }
0x1b: {  	s9 =	sadd.s32 $0xFFFFFEF7, lr;
	s5 =	simm.s32 $0xFFFFFFFF;
	p2 =	slt.u32 s8, $0xFFFFF086  }
0x1c: {  	p1 =	slt.u32 s9, $0xF7A;
	s5 =	simm.s32 @!p2 $0x0  }
0x1d: {  	s5 =	simm.s32 @p1 $0x1;
	p0 =	seq.s32 s7, s2  }
0x1e: {  	s7 =	smul.u32 @!p0 $0xF7A, s2;
	p2 =	seq.s32 @!p0 s5, $0x0  }
0x1f: {  	s9 =	smul.u32 $0xF7A, s1;
	s8 =	simm.s32 @!p0 $0x1BF5;
	p2 =	por !p2, p0  }
0x20: {  	[sflag:s8] =	ssyncset.s32 @!p0 $0xFFFFF086;
	s6 =	sadd.s32 @!p0 s3, s7;
	s7 =	simm.s32 @!p0 $0x108  }
0x21: {  	s3 =	sadd.s32 s3, s9;
	s6 =	sadd.s32 @!p0 $0x88, s6;
	s7 =	simm.s32 @p2 $0x1082  }
0x22: {  	[simem:s7], [sflag:s8] =	dma.local @!p0 [hbm:s6], $0xF7A  }
0x23: {  	s9 =	sor.u32 $0xD0000000, s2;
	s6 =	simm.s32 $0x108;
	_ =	swait.ge @!p0 [sflag:s8], $0x0  }
0x24: {  	s3 =	sadd.s32 $0x88, s3;
	s6 =	simm.s32 @!p1 $0x1082;
	[sflag:s4] =	ssyncset.s32 $0xFFFFF086  }
0x25: {  	[simem:s6], [sflag:s4] =	dma.local [hbm:s3], $0xF7A  }
0x26: {  	[smem:$0x3FA0] =	sst s1;
	(tag) =	ssettag s2;
	_ =	strace s9  }
0x27: {  	s1 =	sld [smem:$0x3FB0]  }
0x28: {  	s2 =	sld [smem:$0x3FB1]  }
0x29: {  	s4 =	sld [smem:$0x3FB3]  }
0x2a: {  	p0 =	seq.s32 s5, $0x0;
	s5 =	sld [smem:$0x3FB4]  }
0x2b: {  	s6 =	sld [smem:$0x3FB5]  }
0x2c: {  	s7 =	sld [smem:$0x3FB6]  }
0x2d: {  	s3 =	simm.s32 $0x108;
	s8 =	sld [smem:$0x3FB7]  }
0x2e: {  	s3 =	simm.s32 @!p0 $0x1082;
	s9 =	sld [smem:$0x3FB8]  }
0x2f: {  	lr =	sadd.s32 s0, s3;
	s0 =	sld [smem:$0x3FAF]  }
0x30: {  	s3 =	sld [smem:$0x3FB2]  }
0x31: {  	[smem:$0x3FBB] =	sst s10  }
0x32: {  	s10 =	sld [smem:$0x3FB9];
	_ =	sdelay $0x3  }
0x33: {  	p0 =	seq.s32 s10, $0x1;
	s10 =	sld [smem:$0x3FBB];
	_ =	sdelay $0x3  }
0x34: {  	[smem:$0x3FBB] =	sst s10  }
0x35: {  	s10 =	sld [smem:$0x3FBA];
	_ =	sdelay $0x3  }
0x36: {  	p1 =	seq.s32 s10, $0x1;
	s10 =	sld [smem:$0x3FBB];
	_ =	sdelay $0x3  }
0x37: {  	[smem:$0x3FBB] =	sst s10  }
0x38: {  	s10 =	sld [smem:$0x3FBC]  }
0x39: {  	_ = 	snop;
	(pc) =	sbr.ind lr, $3  }
0x3a: {  	_ = 	snop  }
0x3b: {  	_ = 	snop  }
0x3c: {  	p2 =	seq.s32 s10, $0x1;
	s10 =	sld [smem:$0x3FBB]  }
0x3d: {  	_ =	shalt  }
0x3e: {  	_ =	shalt  }
0x3f: {  	_ =	shalt  }
0x40: {  	_ =	shalt  }
0x41: {  	_ =	shalt  }
0x42: {  	_ =	shalt  }
0x43: {  	_ =	shalt  }
0x44: {  	_ =	shalt  }
0x45: {  	_ =	shalt  }
0x46: {  	_ =	shalt  }
0x47: {  	_ =	shalt  }
0x48: {  	_ =	shalt  }
0x49: {  	_ =	shalt  }
0x4a: {  	_ =	shalt  }
0x4b: {  	_ =	shalt  }
0x4c: {  	_ =	shalt  }
0x4d: {  	_ =	shalt  }
0x4e: {  	_ =	shalt  }
0x4f: {  	_ =	shalt  }
0x50: {  	_ =	shalt  }
0x51: {  	_ =	shalt  }
0x52: {  	_ =	shalt  }
0x53: {  	_ =	shalt  }
0x54: {  	_ =	shalt  }
0x55: {  	_ =	shalt  }
0x56: {  	_ =	shalt  }
0x57: {  	_ =	shalt  }
0x58: {  	_ =	shalt  }
0x59: {  	_ =	shalt  }
0x5a: {  	_ =	shalt  }
0x5b: {  	_ =	shalt  }
0x5c: {  	_ =	shalt  }
0x5d: {  	_ =	shalt  }
0x5e: {  	_ =	shalt  }
0x5f: {  	_ =	shalt  }
0x60: {  	_ =	shalt  }
0x61: {  	_ =	shalt  }
0x62: {  	_ =	shalt  }
0x63: {  	_ =	shalt  }
0x64: {  	_ =	shalt  }
0x65: {  	_ =	shalt  }
0x66: {  	_ =	shalt  }
0x67: {  	_ =	shalt  }
0x68: {  	_ =	shalt  }
0x69: {  	_ =	shalt  }
0x6a: {  	_ =	shalt  }
0x6b: {  	_ =	shalt  }
0x6c: {  	_ =	shalt  }
0x6d: {  	_ =	shalt  }
0x6e: {  	_ =	shalt  }
0x6f: {  	_ =	shalt  }
0x70: {  	_ =	shalt  }
0x71: {  	_ =	shalt  }
0x72: {  	_ =	shalt  }
0x73: {  	_ =	shalt  }
0x74: {  	_ =	shalt  }
0x75: {  	_ =	shalt  }
0x76: {  	_ =	shalt  }
0x77: {  	_ =	shalt  }
0x78: {  	_ =	shalt  }
0x79: {  	_ =	shalt  }
0x7a: {  	_ =	shalt  }
0x7b: {  	_ =	shalt  }
0x7c: {  	_ =	shalt  }
0x7d: {  	_ =	shalt  }
0x7e: {  	_ =	shalt  }
0x7f: {  	_ =	shalt  }
0x80: {  	_ =	shalt  }
0x81: {  	_ =	shalt  }
0x82: {  	_ =	shalt  }
0x83: {  	_ =	shalt  }
0x84: {  	_ =	shalt  }
0x85: {  	_ =	shalt  }
0x86: {  	_ =	shalt  }
0x87: {  	_ =	shalt  }
.Lfunc_end0:
.L_simem_size_0:
called_computation_lowered:
.L_overlay_start_0:
0x88: {  	s2 =	sld [smem:$0x3FD9]  }
0x89: {  	s3 =	sld [smem:$0x3FFE];
	_ =	sdelay $0x1  }
0x8a: {  	s1 =	srdreg.scid  }
0x8b: {  	s0 =	sand.u32 $0x1, s1  }
0x8c: {  	s18 =	sshll.u32 s0, $0xA;
	s2 =	sadd.s32 s3, s2  }
0x8d: {  	s2 =	sadd.s32 s2, s18  }
0x8e: {  	[smem:$0x3FC7] =	sst s2  }
0x8f: {  	_ = 	snop  }
0x90: {  	s2 =	sld [smem:$0x3FC9]  }
0x91: {  	s19 =	sld [smem:$0x3FD0];
	(tm) =	ssettm $0x1  }
0x92: {  	s4 =	sld [smem:$0x3FFB];
	_ =	sdelay $0x3  }
0x93: {  	_ =	strace s4  }
0x94: {  	s4 =	sld [smem:$0x3FFC];
	_ =	sdelay $0x3  }
0x95: {  	_ =	strace s4  }
0x96: {  	s4 =	sld [smem:$0x3FFD];
	_ =	sdelay $0x3  }
0x97: {  	_ =	strace s4  }
0x98: {  	_ =	strace $0x8FFFFFFF  }
0x99: {  	s20 =	sld [smem:$0x3FDB];
	_ =	sdelay $0x1  }
0x9a: {  	s5 =	simm.s32 $_scs_section_size  }
0x9b: {  	s6 =	simm.s32 $_size__tile_overlayer_lowered;
	s7 =	simm.s32 $_tile_overlayer_lowered  }
0x9c: {  	s23 =	simm.s32 $0x1BFF;
	s22 =	sshll.u32 s7, $0x1;
	s4 =	sadd.s32 s5, s20  }
0x9d: {  	s8 =	simm.s32 $0x0;
	s21 =	sshll.u32 s6, $0x1;
	s6 =	sadd.s32 s22, s4  }
0x9e: {  	[timem:s8], [sflag:s23] =	dma.local [hbm:s6], s21  }
0x9f: {  	_ =	swait.ge [sflag:s23], s21  }
0xa0: {  	s5 =	ssub.s32 $0x0, s21;
	[sflag:s23] =	ssyncset.done $0x0  }
0xa1: {  	[sflag:s23] =	ssyncadd.s32 s5;
	_ =	sdelay $0x1  }
0xa2: {  	s24 =	simm.s32 $0x1B8B  }
0xa3: {  	_ =	swait.ge [sflag:s24], $0x1  }
0xa4: {  	[sflag:s24] =	ssyncset.done $0x0  }
0xa5: {  	s25 =	simm.s32 $0x1B8E;
	[sflag:s24] =	ssyncadd.s32 $0xFFFFFFFF  }
0xa6: {  	s26 =	simm.s32 $execute0_lowered;
	[smem:$0x3FD2] =	sst s25  }
0xa7: {  	s5 =	sshll.u32 s26, $0x1;
	_ =	strace $0x80000046;
	[dreg:$0x1] =	wrdreg $0xFFFFFFFF  }
0xa8: {  	s28 =	simm.s32 $_size_execute0_lowered;
	s4 =	sadd.s32 s4, s5;
	[dreg:$0x0] =	wrdreg $0x0  }
0xa9: {  	s5 =	sshll.u32 s28, $0x1;
	[dreg:$0x2] =	wrdreg s4  }
0xaa: {  	[dreg:$0x3] =	wrdreg s5  }
0xab: {  	[dreg:$0x4] =	wrdreg $0xC0  }
0xac: {  	_ =	task [dreg:s8], $0x5FFFF  }
0xad: {  	[dreg:$0x1] =	wrdreg $0xFFFFFFFF  }
0xae: {  	[dreg:$0x0] =	wrdreg $0x60  }
0xaf: {  	[dreg:$0x2] =	wrdreg s2  }
0xb0: {  	[dreg:$0x3] =	wrdreg s19  }
0xb1: {  	[dreg:$0x4] =	wrdreg $0x9  }
0xb2: {  	_ =	task.clear_ibuf [dreg:s8], $0x5FFFF;
	_ =	strace $0x90000046  }
0xb3: {  	s29 =	simm.s32 $0x9;
	_ =	strace $0x80000048  }
0xb4: {  	_ =	swait.ge [sflag:s29], $0x1  }
0xb5: {  	[sflag:s29] =	ssyncadd.s32 $0xFFFFFFFF  }
0xb6: {  	_ =	strace $0x90000048  }
0xb7: {  	_ =	sfence  }
0xb8: {  	s30 =	sld [smem:$0x0];
	_ =	sdelay $0x2  }
0xb9: {  	s31 =	sshll.u32 s1, $0xD;
	s1 =	sshrl.u32 s1, $0x2  }
0xba: {  	s3 =	sand.u32 $0x4000, s31;
	s1 =	sadd.s32 s1, s30  }
0xbb: {  	s0 =	sor.u32 s3, s0;
	s1 =	sshll.u32 s1, $0x11  }
0xbc: {  	s0 =	sor.u32 s1, s0  }
0xbd: {  	s0 =	sadd.s32 $0x8F2B, s0  }
0xbe: {  	[sflag:s0] =	ssyncadd.remote.s32 $0x1  }
0xbf: {  	_ =	sfence.sel $0xFFFF  }
0xc0: {  	[dreg:$0x0] =	wrdreg $0xFFFFFFFF;
	(pc) =	sbr.abs _section_cstart, $3  }
0xc1: {  	[dreg:$0x1] =	wrdreg $0xFFFFFFFF  }
0xc2: {  	_ =	task.clear_ibuf [dreg:s8], $0x2FFFF;
	_ =	strace $0x9FFFFFFF  }
0xc3: {  	(tm) =	ssettm $0x7FFFFFFF  }
tec
execute0_lowered:
.L_overlay_start_1:
0x0: {  	(tag) =	ssettag $0x1  }
0x1: {  	s2 =	rddreg [dreg:$0x0]  }
0x2: {  	s3 =	rddreg [dreg:$0x1]  }
0x3: {  	s5 =	stileid.u32;
	s0 =	srdreg.scid  }
0x4: {  	s4 =	simm.s32 $0x0;
	s19 =	simm.s32 $0x1;
	s20 =	simm.s32 $0x100  }
0x5: {  	s30 =	simm.s32 $0x5;
	s31 =	simm.s32 $0x2;
	s13 =	simm.s32 $0x6  }
0x6: {  	s15 =	simm.s32 $0x3;
	s29 =	simm.s32 $0x7;
	s12 =	simm.s32 $0xF000  }
0x7: {  	s16 =	simm.s32 $0xF800;
	s17 =	simm.s32 $0x0;
	s1 =	sshll.u32 s5, $0x1  }
0x8: {  	s0 =	sand.u32 $0x1, s0;
	[smem:$0x7FF] =	sst s4;
	s1 =	sand.u32 $0x2, s1  }
0x9: {  	s8 =	sshrl.u32 s5, $0x1;
	s22 =	sadd.s32 $0x40000, s2;
	s1 =	sor.u32 s0, s1  }
0xa: {  	s21 =	sshll.u32 s8, $0x12;
	s0 =	ssub.s32 $0x2, s0;
	s5 =	sshll.u32 s1, $0x16  }
0xb: {  	_ =	strace $0x80000047;
	s7 =	sshrl.u32 s0, $0x1;
	s6 =	sor.u32 s21, s5  }
0xc: {  	s0 =	ssub.s32 s0, s7;
	s7 =	sshll.u32 s8, $0x8;
	s25 =	sor.u32 $0x8000, s6  }
0xd: {  	s8 =	sshll.u32 s8, $0x13;
	s26 =	sor.u32 $0xA000, s6;
	[dreg:$0x9] =	wrdreg s25  }
0xe: {  	s21 =	simm.s32 $0x400;
	s28 =	sor.u32 $0xC000, s6;
	[dreg:$0xa] =	wrdreg s26  }
0xf: {  	s1 =	sshrl.u32 s6, $0x3;
	s0 =	smax.u32 s0, $0x1;
	[dreg:$0xb] =	wrdreg s28  }
0x10: {  	s14 =	sor.u32 s5, s8;
	s9 =	sadd.s32 s2, s1;
	[dreg:$0xc] =	wrdreg s0  }
0x11: {  	s10 =	sor.u32 $0x400, s1;
	s11 =	sadd.s32 s1, s22;
	[dreg:$0x3] =	wrdreg s9  }
.Ltmp0:
0x12: {  	[dreg:$0x4] =	wrdreg s11;
	s23 =	sadd.s32 s2, s10;
	(pc) =	sbr.rel .LBB2_1-.Ltmp0, $4  }
0x13: {  	s1 =	sor.u32 $0x800, s1;
	s10 =	sadd.s32 s10, s22;
	[dreg:$0x5] =	wrdreg s23  }
0x14: {  	s0 =	simm.s32 $0x4;
	s24 =	sadd.s32 s2, s1;
	[dreg:$0x6] =	wrdreg s10  }
0x15: {  	s1 =	sadd.s32 s1, s22;
	s9 =	simm.s32 $0xD800;
	[dreg:$0x7] =	wrdreg s24  }
0x16: {  	s11 =	simm.s32 $0xE800;
	[dreg:$0x8] =	wrdreg s1;
	s10 =	simm.s32 $0xE000  }
.LBB2_37:
0x17: {  	s8 =	simm.s32 $0x8  }
0x18: {  	_ =	swait.ge [sflag:s8], $0x4000  }
0x19: {  	s17 =	rddreg [dreg:$0xd]  }
0x1a: {  	s1 =	rddreg [dreg:$0xc];
	s17 =	sadd.s32 $0x1, s17  }
0x1b: {  	p0 =	sne.s32 s17, s1  }
.Ltmp1:
0x1c: {  	_ = 	snop;
	(pc) =	sbr.rel @!p0 .LBB2_38-.Ltmp1, $3  }
0x1d: {  	_ =	sdelay $0x1  }
0x1e: {  	[sflag:s8] =	ssyncset.done $0x0  }
0x1f: {  	[sflag:s8] =	ssyncadd.s32 $0xFFFFC000  }
.LBB2_1:
0x20: {  	s1 =	simm.s32 $0x0;
	s8 =	rddreg [dreg:$0x3]  }
0x21: {  	[tilespmem:s1], [sflag:$0x1] =	stream.linear.gather [hbm4b:s8+s4], $0x80, $0x38;
	[tilespmem:$0x10000] =	vst v63  }
0x22: {  	s25 =	simm.s32 $0x800;
	s24 =	sadd.s32 $0x10, s8  }
0x23: {  	[tilespmem:s25], [sflag:$0x1] =	stream.linear.gather [hbm4b:s24+s4], $0x80, $0x38;
	[tilespmem:$0x10000] =	vst v63  }
0x24: {  	[dreg:$0xd] =	wrdreg s17;
	s28 =	simm.s32 $0x1000;
	s26 =	sadd.s32 $0x20, s8  }
0x25: {  	[tilespmem:s28], [sflag:$0x1] =	stream.linear.gather [hbm4b:s26+s4], $0x80, $0x38;
	[tilespmem:$0x10000] =	vst v63  }
0x26: {  	s18 =	simm.s32 $0x1800;
	s23 =	simm.s32 $0x2000;
	s17 =	sadd.s32 $0x30, s8  }
0x27: {  	[tilespmem:s18], [sflag:$0x1] =	stream.linear.gather [hbm4b:s17+s4], $0x80, $0x38;
	[tilespmem:$0x10000] =	vst v63  }
0x28: {  	s22 =	sadd.s32 $0x40, s8;
	s1 =	sadd.s32 $0x70, s8;
	s24 =	sadd.s32 $0x50, s8  }
0x29: {  	[tilespmem:s23], [sflag:$0x1] =	stream.linear.gather [hbm4b:s22+s4], $0x80, $0x38;
	[tilespmem:$0x10000] =	vst v63  }
0x2a: {  	s25 =	simm.s32 $0x2800;
	s26 =	sadd.s32 $0x60, s8;
	s28 =	simm.s32 $0x3000  }
0x2b: {  	[tilespmem:s25], [sflag:$0x1] =	stream.linear.gather [hbm4b:s24+s4], $0x80, $0x38;
	[tilespmem:$0x10000] =	vst v63  }
0x2c: {  	s17 =	simm.s32 $0x400;
	s18 =	simm.s32 $0x3800;
	s22 =	sadd.s32 $0x80, s8  }
0x2d: {  	[tilespmem:s28], [sflag:$0x1] =	stream.linear.gather [hbm4b:s26+s4], $0x80, $0x38;
	[tilespmem:$0x10000] =	vst v63  }
.LBB2_2:
0x2e: {  	[tilespmem:s18], [sflag:$0x1] =	stream.linear.gather [hbm4b:s1+s4], $0x80, $0x38;
	[tilespmem:$0x10000] =	vst v63  }
0x2f: {  	s18 =	sshra.s32 s17, $0x2;
	p0 =	sne.s32 s17, $0x1C00;
	s17 =	sadd.s32 $0x400, s17  }
0x30: {  	[tilespmem:s18], [sflag:$0x1] =	stream.linear.gather [hbm4b:s22+s4], $0x80, $0x38;
	[tilespmem:$0x10000] =	vst v63  }
0x31: {  	s1 =	sadd.s32 $0x10, s22;
	s23 =	sadd.s32 $0x800, s18  }
0x32: {  	[tilespmem:s23], [sflag:$0x1] =	stream.linear.gather [hbm4b:s1+s4], $0x80, $0x38;
	[tilespmem:$0x10000] =	vst v63  }
0x33: {  	s1 =	sadd.s32 $0x20, s22;
	s23 =	sadd.s32 $0x1000, s18  }
0x34: {  	[tilespmem:s23], [sflag:$0x1] =	stream.linear.gather [hbm4b:s1+s4], $0x80, $0x38;
	[tilespmem:$0x10000] =	vst v63  }
0x35: {  	s1 =	sadd.s32 $0x30, s22;
	s23 =	sadd.s32 $0x1800, s18  }
0x36: {  	[tilespmem:s23], [sflag:$0x1] =	stream.linear.gather [hbm4b:s1+s4], $0x80, $0x38;
	[tilespmem:$0x10000] =	vst v63  }
0x37: {  	s1 =	sadd.s32 $0x40, s22;
	s23 =	sadd.s32 $0x2000, s18  }
0x38: {  	[tilespmem:s23], [sflag:$0x1] =	stream.linear.gather [hbm4b:s1+s4], $0x80, $0x38;
	[tilespmem:$0x10000] =	vst v63  }
.Ltmp2:
0x39: {  	s1 =	sadd.s32 $0x50, s22;
	s23 =	sadd.s32 $0x2800, s18;
	(pc) =	sbr.rel @p0 .LBB2_2-.Ltmp2, $4  }
0x3a: {  	[tilespmem:s23], [sflag:$0x1] =	stream.linear.gather [hbm4b:s1+s4], $0x80, $0x38;
	[tilespmem:$0x10000] =	vst v63  }
0x3b: {  	s1 =	sadd.s32 $0x60, s22;
	s23 =	sadd.s32 $0x3000, s18  }
0x3c: {  	[tilespmem:s23], [sflag:$0x1] =	stream.linear.gather [hbm4b:s1+s4], $0x80, $0x38;
	[tilespmem:$0x10000] =	vst v63  }
0x3d: {  	s18 =	sadd.s32 $0x3800, s18;
	s1 =	sadd.s32 $0x70, s22;
	s22 =	sadd.s32 $0x80, s22  }
0x3e: {  	[tilespmem:s18], [sflag:$0x1] =	stream.linear.gather [hbm4b:s1+s4], $0x80, $0x38;
	[tilespmem:$0x10000] =	vst v63  }
0x3f: {  	s24 =	simm.s32 $0x80;
	s8 =	rddreg [dreg:$0x4]  }
0x40: {  	[tilespmem:s24], [sflag:$0x1] =	stream.linear.gather [hbm4b:s8+s4], $0x80, $0x38;
	[tilespmem:$0x10000] =	vst v63  }
0x41: {  	s17 =	simm.s32 $0x880;
	s25 =	sadd.s32 $0x10, s8  }
0x42: {  	[tilespmem:s17], [sflag:$0x1] =	stream.linear.gather [hbm4b:s25+s4], $0x80, $0x38;
	[tilespmem:$0x10000] =	vst v63  }
0x43: {  	s28 =	simm.s32 $0x1080;
	s18 =	simm.s32 $0x1880;
	s26 =	sadd.s32 $0x20, s8  }
0x44: {  	[tilespmem:s28], [sflag:$0x1] =	stream.linear.gather [hbm4b:s26+s4], $0x80, $0x38;
	[tilespmem:$0x10000] =	vst v63  }
0x45: {  	s23 =	simm.s32 $0x2080;
	s1 =	simm.s32 $0x3880;
	s17 =	sadd.s32 $0x30, s8  }
0x46: {  	[tilespmem:s18], [sflag:$0x1] =	stream.linear.gather [hbm4b:s17+s4], $0x80, $0x38;
	[tilespmem:$0x10000] =	vst v63  }
0x47: {  	s22 =	sadd.s32 $0x40, s8;
	s24 =	sadd.s32 $0x50, s8;
	s25 =	simm.s32 $0x2880  }
0x48: {  	[tilespmem:s23], [sflag:$0x1] =	stream.linear.gather [hbm4b:s22+s4], $0x80, $0x38;
	[tilespmem:$0x10000] =	vst v63  }
0x49: {  	s26 =	sadd.s32 $0x60, s8;
	s28 =	simm.s32 $0x3080;
	s17 =	simm.s32 $0x100  }
0x4a: {  	[tilespmem:s25], [sflag:$0x1] =	stream.linear.gather [hbm4b:s24+s4], $0x80, $0x38;
	[tilespmem:$0x10000] =	vst v63  }
0x4b: {  	s23 =	simm.s32 $0x800;
	s22 =	sadd.s32 $0x80, s8;
	s24 =	sadd.s32 $0x70, s8  }
0x4c: {  	[tilespmem:s28], [sflag:$0x1] =	stream.linear.gather [hbm4b:s26+s4], $0x80, $0x38;
	[tilespmem:$0x10000] =	vst v63  }
.LBB2_4:
0x4d: {  	[tilespmem:s1], [sflag:$0x1] =	stream.linear.gather [hbm4b:s24+s4], $0x80, $0x38;
	[tilespmem:$0x10000] =	vst v63  }
0x4e: {  	s1 =	smov.u32 s17;
	s17 =	smov.u32 s23  }
0x4f: {  	s18 =	sadd.s32 $0x400, s23;
	s17 =	sshra.s32 s17, $0x2;
	s24 =	sadd.s32 $0x80, s1  }
0x50: {  	[tilespmem:s24], [sflag:$0x1] =	stream.linear.gather [hbm4b:s22+s4], $0x80, $0x38;
	[tilespmem:$0x10000] =	vst v63  }
0x51: {  	p0 =	sne.s32 s23, $0x1C00;
	s23 =	sadd.s32 $0x10, s22;
	s24 =	sadd.s32 $0x880, s1  }
0x52: {  	[tilespmem:s24], [sflag:$0x1] =	stream.linear.gather [hbm4b:s23+s4], $0x80, $0x38;
	[tilespmem:$0x10000] =	vst v63  }
0x53: {  	s23 =	sadd.s32 $0x20, s22;
	s24 =	sadd.s32 $0x1080, s1  }
0x54: {  	[tilespmem:s24], [sflag:$0x1] =	stream.linear.gather [hbm4b:s23+s4], $0x80, $0x38;
	[tilespmem:$0x10000] =	vst v63  }
0x55: {  	s23 =	sadd.s32 $0x30, s22;
	s24 =	sadd.s32 $0x1880, s1  }
0x56: {  	[tilespmem:s24], [sflag:$0x1] =	stream.linear.gather [hbm4b:s23+s4], $0x80, $0x38;
	[tilespmem:$0x10000] =	vst v63  }
0x57: {  	s23 =	sadd.s32 $0x40, s22;
	s24 =	sadd.s32 $0x2080, s1  }
0x58: {  	[tilespmem:s24], [sflag:$0x1] =	stream.linear.gather [hbm4b:s23+s4], $0x80, $0x38;
	[tilespmem:$0x10000] =	vst v63  }
.Ltmp3:
0x59: {  	s23 =	sadd.s32 $0x50, s22;
	s24 =	sadd.s32 $0x2880, s1;
	(pc) =	sbr.rel @p0 .LBB2_4-.Ltmp3, $4  }
0x5a: {  	[tilespmem:s24], [sflag:$0x1] =	stream.linear.gather [hbm4b:s23+s4], $0x80, $0x38;
	[tilespmem:$0x10000] =	vst v63  }
0x5b: {  	s23 =	sadd.s32 $0x60, s22;
	s24 =	sadd.s32 $0x3080, s1;
	s1 =	sadd.s32 $0x3880, s1  }
0x5c: {  	[tilespmem:s24], [sflag:$0x1] =	stream.linear.gather [hbm4b:s23+s4], $0x80, $0x38;
	[tilespmem:$0x10000] =	vst v63  }
0x5d: {  	s24 =	sadd.s32 $0x70, s22;
	s22 =	sadd.s32 $0x80, s22;
	s23 =	smov.u32 s18  }
0x5e: {  	[tilespmem:s1], [sflag:$0x1] =	stream.linear.gather [hbm4b:s24+s4], $0x80, $0x38;
	[tilespmem:$0x10000] =	vst v63  }
0x5f: {  	s23 =	sadd.s32 $0x80, s17  }
0x60: {  	[tilespmem:s23], [sflag:$0x1] =	stream.linear.gather [hbm4b:s22+s4], $0x80, $0x38;
	[tilespmem:$0x10000] =	vst v63  }
0x61: {  	s24 =	sadd.s32 $0x10, s22;
	s18 =	sadd.s32 $0x880, s17  }
0x62: {  	[tilespmem:s18], [sflag:$0x1] =	stream.linear.gather [hbm4b:s24+s4], $0x80, $0x38;
	[tilespmem:$0x10000] =	vst v63  }
0x63: {  	s25 =	sadd.s32 $0x20, s22;
	s26 =	sadd.s32 $0x1080, s17  }
0x64: {  	[tilespmem:s26], [sflag:$0x1] =	stream.linear.gather [hbm4b:s25+s4], $0x80, $0x38;
	[tilespmem:$0x10000] =	vst v63  }
0x65: {  	s28 =	sadd.s32 $0x30, s22;
	s8 =	sadd.s32 $0x1880, s17  }
0x66: {  	[tilespmem:s8], [sflag:$0x1] =	stream.linear.gather [hbm4b:s28+s4], $0x80, $0x38;
	[tilespmem:$0x10000] =	vst v63  }
0x67: {  	s23 =	sadd.s32 $0x40, s22;
	s24 =	sadd.s32 $0x2080, s17  }
0x68: {  	[tilespmem:s24], [sflag:$0x1] =	stream.linear.gather [hbm4b:s23+s4], $0x80, $0x38;
	[tilespmem:$0x10000] =	vst v63  }
0x69: {  	s25 =	sadd.s32 $0x50, s22;
	s26 =	sadd.s32 $0x2880, s17  }
0x6a: {  	[tilespmem:s26], [sflag:$0x1] =	stream.linear.gather [hbm4b:s25+s4], $0x80, $0x38;
	[tilespmem:$0x10000] =	vst v63  }
0x6b: {  	s28 =	sadd.s32 $0x60, s22;
	s8 =	sadd.s32 $0x3080, s17  }
0x6c: {  	[tilespmem:s8], [sflag:$0x1] =	stream.linear.gather [hbm4b:s28+s4], $0x80, $0x38;
	[tilespmem:$0x10000] =	vst v63  }
0x6d: {  	s18 =	sadd.s32 $0x70, s22;
	s22 =	sadd.s32 $0x3880, s17  }
0x6e: {  	[tilespmem:s22], [sflag:$0x1] =	stream.linear.gather [hbm4b:s18+s4], $0x80, $0x38;
	[tilespmem:$0x10000] =	vst v63  }
0x6f: {  	s23 =	simm.s32 $0x4000;
	s8 =	rddreg [dreg:$0x5]  }
0x70: {  	[tilespmem:s23], [sflag:$0x2] =	stream.linear.gather [hbm4b:s8+s4], $0x80, $0x38;
	[tilespmem:$0x10000] =	vst v63  }
0x71: {  	s25 =	simm.s32 $0x4800;
	s24 =	sadd.s32 $0x10, s8  }
0x72: {  	[tilespmem:s25], [sflag:$0x2] =	stream.linear.gather [hbm4b:s24+s4], $0x80, $0x38;
	[tilespmem:$0x10000] =	vst v63  }
0x73: {  	s1 =	simm.s32 $0x7800;
	s28 =	simm.s32 $0x5000;
	s26 =	sadd.s32 $0x20, s8  }
0x74: {  	[tilespmem:s28], [sflag:$0x2] =	stream.linear.gather [hbm4b:s26+s4], $0x80, $0x38;
	[tilespmem:$0x10000] =	vst v63  }
0x75: {  	s17 =	sadd.s32 $0x30, s8;
	s18 =	simm.s32 $0x5800;
	s22 =	sadd.s32 $0x40, s8  }
0x76: {  	[tilespmem:s18], [sflag:$0x2] =	stream.linear.gather [hbm4b:s17+s4], $0x80, $0x38;
	[tilespmem:$0x10000] =	vst v63  }
0x77: {  	s23 =	simm.s32 $0x6000;
	s24 =	sadd.s32 $0x50, s8;
	s25 =	simm.s32 $0x6800  }
0x78: {  	[tilespmem:s23], [sflag:$0x2] =	stream.linear.gather [hbm4b:s22+s4], $0x80, $0x38;
	[tilespmem:$0x10000] =	vst v63  }
0x79: {  	s26 =	sadd.s32 $0x60, s8;
	s28 =	simm.s32 $0x7000;
	s17 =	simm.s32 $0x100  }
0x7a: {  	[tilespmem:s25], [sflag:$0x2] =	stream.linear.gather [hbm4b:s24+s4], $0x80, $0x38;
	[tilespmem:$0x10000] =	vst v63  }
0x7b: {  	s23 =	simm.s32 $0x800;
	s22 =	sadd.s32 $0x80, s8;
	s24 =	sadd.s32 $0x70, s8  }
0x7c: {  	[tilespmem:s28], [sflag:$0x2] =	stream.linear.gather [hbm4b:s26+s4], $0x80, $0x38;
	[tilespmem:$0x10000] =	vst v63  }
.LBB2_6:
0x7d: {  	[tilespmem:s1], [sflag:$0x2] =	stream.linear.gather [hbm4b:s24+s4], $0x80, $0x38;
	[tilespmem:$0x10000] =	vst v63  }
0x7e: {  	s1 =	smov.u32 s17;
	s17 =	smov.u32 s23  }
0x7f: {  	s18 =	sadd.s32 $0x400, s23;
	s17 =	sshra.s32 s17, $0x2;
	s24 =	sadd.s32 $0x4000, s1  }
0x80: {  	[tilespmem:s24], [sflag:$0x2] =	stream.linear.gather [hbm4b:s22+s4], $0x80, $0x38;
	[tilespmem:$0x10000] =	vst v63  }
0x81: {  	p0 =	sne.s32 s23, $0x1C00;
	s23 =	sadd.s32 $0x10, s22;
	s24 =	sadd.s32 $0x4800, s1  }
0x82: {  	[tilespmem:s24], [sflag:$0x2] =	stream.linear.gather [hbm4b:s23+s4], $0x80, $0x38;
	[tilespmem:$0x10000] =	vst v63  }
0x83: {  	s23 =	sadd.s32 $0x20, s22;
	s24 =	sadd.s32 $0x5000, s1  }
0x84: {  	[tilespmem:s24], [sflag:$0x2] =	stream.linear.gather [hbm4b:s23+s4], $0x80, $0x38;
	[tilespmem:$0x10000] =	vst v63  }
0x85: {  	s23 =	sadd.s32 $0x30, s22;
	s24 =	sadd.s32 $0x5800, s1  }
0x86: {  	[tilespmem:s24], [sflag:$0x2] =	stream.linear.gather [hbm4b:s23+s4], $0x80, $0x38;
	[tilespmem:$0x10000] =	vst v63  }
0x87: {  	s23 =	sadd.s32 $0x40, s22;
	s24 =	sadd.s32 $0x6000, s1  }
0x88: {  	[tilespmem:s24], [sflag:$0x2] =	stream.linear.gather [hbm4b:s23+s4], $0x80, $0x38;
	[tilespmem:$0x10000] =	vst v63  }
.Ltmp4:
0x89: {  	s23 =	sadd.s32 $0x50, s22;
	s24 =	sadd.s32 $0x6800, s1;
	(pc) =	sbr.rel @p0 .LBB2_6-.Ltmp4, $4  }
0x8a: {  	[tilespmem:s24], [sflag:$0x2] =	stream.linear.gather [hbm4b:s23+s4], $0x80, $0x38;
	[tilespmem:$0x10000] =	vst v63  }
0x8b: {  	s23 =	sadd.s32 $0x60, s22;
	s24 =	sadd.s32 $0x7000, s1;
	s1 =	sadd.s32 $0x7800, s1  }
0x8c: {  	[tilespmem:s24], [sflag:$0x2] =	stream.linear.gather [hbm4b:s23+s4], $0x80, $0x38;
	[tilespmem:$0x10000] =	vst v63  }
0x8d: {  	s24 =	sadd.s32 $0x70, s22;
	s22 =	sadd.s32 $0x80, s22;
	s23 =	smov.u32 s18  }
0x8e: {  	[tilespmem:s1], [sflag:$0x2] =	stream.linear.gather [hbm4b:s24+s4], $0x80, $0x38;
	[tilespmem:$0x10000] =	vst v63  }
0x8f: {  	s23 =	sadd.s32 $0x4000, s17  }
0x90: {  	[tilespmem:s23], [sflag:$0x2] =	stream.linear.gather [hbm4b:s22+s4], $0x80, $0x38;
	[tilespmem:$0x10000] =	vst v63  }
0x91: {  	s24 =	sadd.s32 $0x10, s22;
	s18 =	sadd.s32 $0x4800, s17  }
0x92: {  	[tilespmem:s18], [sflag:$0x2] =	stream.linear.gather [hbm4b:s24+s4], $0x80, $0x38;
	[tilespmem:$0x10000] =	vst v63  }
0x93: {  	s25 =	sadd.s32 $0x20, s22;
	s26 =	sadd.s32 $0x5000, s17  }
0x94: {  	[tilespmem:s26], [sflag:$0x2] =	stream.linear.gather [hbm4b:s25+s4], $0x80, $0x38;
	[tilespmem:$0x10000] =	vst v63  }
0x95: {  	s28 =	sadd.s32 $0x30, s22;
	s8 =	sadd.s32 $0x5800, s17  }
0x96: {  	[tilespmem:s8], [sflag:$0x2] =	stream.linear.gather [hbm4b:s28+s4], $0x80, $0x38;
	[tilespmem:$0x10000] =	vst v63  }
0x97: {  	s23 =	sadd.s32 $0x40, s22;
	s24 =	sadd.s32 $0x6000, s17  }
0x98: {  	[tilespmem:s24], [sflag:$0x2] =	stream.linear.gather [hbm4b:s23+s4], $0x80, $0x38;
	[tilespmem:$0x10000] =	vst v63  }
0x99: {  	s25 =	sadd.s32 $0x50, s22;
	s26 =	sadd.s32 $0x6800, s17  }
0x9a: {  	[tilespmem:s26], [sflag:$0x2] =	stream.linear.gather [hbm4b:s25+s4], $0x80, $0x38;
	[tilespmem:$0x10000] =	vst v63  }
0x9b: {  	s28 =	sadd.s32 $0x60, s22;
	s8 =	sadd.s32 $0x7000, s17  }
0x9c: {  	[tilespmem:s8], [sflag:$0x2] =	stream.linear.gather [hbm4b:s28+s4], $0x80, $0x38;
	[tilespmem:$0x10000] =	vst v63  }
0x9d: {  	s18 =	sadd.s32 $0x70, s22;
	s22 =	sadd.s32 $0x7800, s17  }
0x9e: {  	[tilespmem:s22], [sflag:$0x2] =	stream.linear.gather [hbm4b:s18+s4], $0x80, $0x38;
	[tilespmem:$0x10000] =	vst v63  }
0x9f: {  	s23 =	simm.s32 $0x4080;
	s8 =	rddreg [dreg:$0x6]  }
0xa0: {  	[tilespmem:s23], [sflag:$0x2] =	stream.linear.gather [hbm4b:s8+s4], $0x80, $0x38;
	[tilespmem:$0x10000] =	vst v63  }
0xa1: {  	s25 =	simm.s32 $0x4880;
	s24 =	sadd.s32 $0x10, s8  }
0xa2: {  	[tilespmem:s25], [sflag:$0x2] =	stream.linear.gather [hbm4b:s24+s4], $0x80, $0x38;
	[tilespmem:$0x10000] =	vst v63  }
0xa3: {  	s1 =	simm.s32 $0x7880;
	s28 =	simm.s32 $0x5080;
	s26 =	sadd.s32 $0x20, s8  }
0xa4: {  	[tilespmem:s28], [sflag:$0x2] =	stream.linear.gather [hbm4b:s26+s4], $0x80, $0x38;
	[tilespmem:$0x10000] =	vst v63  }
0xa5: {  	s17 =	sadd.s32 $0x30, s8;
	s18 =	simm.s32 $0x5880;
	s22 =	sadd.s32 $0x40, s8  }
0xa6: {  	[tilespmem:s18], [sflag:$0x2] =	stream.linear.gather [hbm4b:s17+s4], $0x80, $0x38;
	[tilespmem:$0x10000] =	vst v63  }
0xa7: {  	s23 =	simm.s32 $0x6080;
	s24 =	sadd.s32 $0x50, s8;
	s25 =	simm.s32 $0x6880  }
0xa8: {  	[tilespmem:s23], [sflag:$0x2] =	stream.linear.gather [hbm4b:s22+s4], $0x80, $0x38;
	[tilespmem:$0x10000] =	vst v63  }
0xa9: {  	s26 =	sadd.s32 $0x60, s8;
	s28 =	simm.s32 $0x7080;
	s17 =	simm.s32 $0x100  }
0xaa: {  	[tilespmem:s25], [sflag:$0x2] =	stream.linear.gather [hbm4b:s24+s4], $0x80, $0x38;
	[tilespmem:$0x10000] =	vst v63  }
0xab: {  	s23 =	simm.s32 $0x800;
	s22 =	sadd.s32 $0x80, s8;
	s24 =	sadd.s32 $0x70, s8  }
0xac: {  	[tilespmem:s28], [sflag:$0x2] =	stream.linear.gather [hbm4b:s26+s4], $0x80, $0x38;
	[tilespmem:$0x10000] =	vst v63  }
.LBB2_8:
0xad: {  	[tilespmem:s1], [sflag:$0x2] =	stream.linear.gather [hbm4b:s24+s4], $0x80, $0x38;
	[tilespmem:$0x10000] =	vst v63  }
0xae: {  	s1 =	smov.u32 s17;
	s17 =	smov.u32 s23  }
0xaf: {  	s18 =	sadd.s32 $0x400, s23;
	s17 =	sshra.s32 s17, $0x2;
	s24 =	sadd.s32 $0x4080, s1  }
0xb0: {  	[tilespmem:s24], [sflag:$0x2] =	stream.linear.gather [hbm4b:s22+s4], $0x80, $0x38;
	[tilespmem:$0x10000] =	vst v63  }
0xb1: {  	p0 =	sne.s32 s23, $0x1C00;
	s23 =	sadd.s32 $0x10, s22;
	s24 =	sadd.s32 $0x4880, s1  }
0xb2: {  	[tilespmem:s24], [sflag:$0x2] =	stream.linear.gather [hbm4b:s23+s4], $0x80, $0x38;
	[tilespmem:$0x10000] =	vst v63  }
0xb3: {  	s23 =	sadd.s32 $0x20, s22;
	s24 =	sadd.s32 $0x5080, s1  }
0xb4: {  	[tilespmem:s24], [sflag:$0x2] =	stream.linear.gather [hbm4b:s23+s4], $0x80, $0x38;
	[tilespmem:$0x10000] =	vst v63  }
0xb5: {  	s23 =	sadd.s32 $0x30, s22;
	s24 =	sadd.s32 $0x5880, s1  }
0xb6: {  	[tilespmem:s24], [sflag:$0x2] =	stream.linear.gather [hbm4b:s23+s4], $0x80, $0x38;
	[tilespmem:$0x10000] =	vst v63  }
0xb7: {  	s23 =	sadd.s32 $0x40, s22;
	s24 =	sadd.s32 $0x6080, s1  }
0xb8: {  	[tilespmem:s24], [sflag:$0x2] =	stream.linear.gather [hbm4b:s23+s4], $0x80, $0x38;
	[tilespmem:$0x10000] =	vst v63  }
.Ltmp5:
0xb9: {  	s23 =	sadd.s32 $0x50, s22;
	s24 =	sadd.s32 $0x6880, s1;
	(pc) =	sbr.rel @p0 .LBB2_8-.Ltmp5, $4  }
0xba: {  	[tilespmem:s24], [sflag:$0x2] =	stream.linear.gather [hbm4b:s23+s4], $0x80, $0x38;
	[tilespmem:$0x10000] =	vst v63  }
0xbb: {  	s23 =	sadd.s32 $0x60, s22;
	s24 =	sadd.s32 $0x7080, s1;
	s1 =	sadd.s32 $0x7880, s1  }
0xbc: {  	[tilespmem:s24], [sflag:$0x2] =	stream.linear.gather [hbm4b:s23+s4], $0x80, $0x38;
	[tilespmem:$0x10000] =	vst v63  }
0xbd: {  	s24 =	sadd.s32 $0x70, s22;
	s22 =	sadd.s32 $0x80, s22;
	s23 =	smov.u32 s18  }
0xbe: {  	[tilespmem:s1], [sflag:$0x2] =	stream.linear.gather [hbm4b:s24+s4], $0x80, $0x38;
	[tilespmem:$0x10000] =	vst v63  }
0xbf: {  	s23 =	sadd.s32 $0x4080, s17  }
0xc0: {  	[tilespmem:s23], [sflag:$0x2] =	stream.linear.gather [hbm4b:s22+s4], $0x80, $0x38;
	[tilespmem:$0x10000] =	vst v63  }
0xc1: {  	s24 =	sadd.s32 $0x10, s22;
	s18 =	sadd.s32 $0x4880, s17  }
0xc2: {  	[tilespmem:s18], [sflag:$0x2] =	stream.linear.gather [hbm4b:s24+s4], $0x80, $0x38;
	[tilespmem:$0x10000] =	vst v63  }
0xc3: {  	s25 =	sadd.s32 $0x20, s22;
	s26 =	sadd.s32 $0x5080, s17  }
0xc4: {  	[tilespmem:s26], [sflag:$0x2] =	stream.linear.gather [hbm4b:s25+s4], $0x80, $0x38;
	[tilespmem:$0x10000] =	vst v63  }
0xc5: {  	s28 =	sadd.s32 $0x30, s22;
	s8 =	sadd.s32 $0x5880, s17  }
0xc6: {  	[tilespmem:s8], [sflag:$0x2] =	stream.linear.gather [hbm4b:s28+s4], $0x80, $0x38;
	[tilespmem:$0x10000] =	vst v63  }
0xc7: {  	s23 =	sadd.s32 $0x40, s22;
	s24 =	sadd.s32 $0x6080, s17  }
0xc8: {  	[tilespmem:s24], [sflag:$0x2] =	stream.linear.gather [hbm4b:s23+s4], $0x80, $0x38;
	[tilespmem:$0x10000] =	vst v63  }
0xc9: {  	s25 =	sadd.s32 $0x50, s22;
	s26 =	sadd.s32 $0x6880, s17  }
0xca: {  	[tilespmem:s26], [sflag:$0x2] =	stream.linear.gather [hbm4b:s25+s4], $0x80, $0x38;
	[tilespmem:$0x10000] =	vst v63  }
0xcb: {  	s28 =	sadd.s32 $0x60, s22;
	s8 =	sadd.s32 $0x7080, s17  }
0xcc: {  	[tilespmem:s8], [sflag:$0x2] =	stream.linear.gather [hbm4b:s28+s4], $0x80, $0x38;
	[tilespmem:$0x10000] =	vst v63  }
0xcd: {  	s18 =	sadd.s32 $0x70, s22;
	s22 =	sadd.s32 $0x7880, s17  }
0xce: {  	[tilespmem:s22], [sflag:$0x2] =	stream.linear.gather [hbm4b:s18+s4], $0x80, $0x38;
	[tilespmem:$0x10000] =	vst v63  }
0xcf: {  	s23 =	simm.s32 $0x8000;
	s8 =	rddreg [dreg:$0x7]  }
0xd0: {  	[tilespmem:s23], [sflag:$0x3] =	stream.linear.gather [hbm4b:s8+s4], $0x80, $0x38;
	[tilespmem:$0x10000] =	vst v63  }
0xd1: {  	s25 =	simm.s32 $0x8800;
	s24 =	sadd.s32 $0x10, s8  }
0xd2: {  	[tilespmem:s25], [sflag:$0x3] =	stream.linear.gather [hbm4b:s24+s4], $0x80, $0x38;
	[tilespmem:$0x10000] =	vst v63  }
0xd3: {  	s1 =	simm.s32 $0xB800;
	s28 =	simm.s32 $0x9000;
	s26 =	sadd.s32 $0x20, s8  }
0xd4: {  	[tilespmem:s28], [sflag:$0x3] =	stream.linear.gather [hbm4b:s26+s4], $0x80, $0x38;
	[tilespmem:$0x10000] =	vst v63  }
0xd5: {  	s17 =	sadd.s32 $0x30, s8;
	s18 =	simm.s32 $0x9800;
	s22 =	sadd.s32 $0x40, s8  }
0xd6: {  	[tilespmem:s18], [sflag:$0x3] =	stream.linear.gather [hbm4b:s17+s4], $0x80, $0x38;
	[tilespmem:$0x10000] =	vst v63  }
0xd7: {  	s23 =	simm.s32 $0xA000;
	s24 =	sadd.s32 $0x50, s8;
	s25 =	simm.s32 $0xA800  }
0xd8: {  	[tilespmem:s23], [sflag:$0x3] =	stream.linear.gather [hbm4b:s22+s4], $0x80, $0x38;
	[tilespmem:$0x10000] =	vst v63  }
0xd9: {  	s26 =	sadd.s32 $0x60, s8;
	s28 =	simm.s32 $0xB000;
	s17 =	simm.s32 $0x100  }
0xda: {  	[tilespmem:s25], [sflag:$0x3] =	stream.linear.gather [hbm4b:s24+s4], $0x80, $0x38;
	[tilespmem:$0x10000] =	vst v63  }
0xdb: {  	s23 =	simm.s32 $0x800;
	s22 =	sadd.s32 $0x80, s8;
	s24 =	sadd.s32 $0x70, s8  }
0xdc: {  	[tilespmem:s28], [sflag:$0x3] =	stream.linear.gather [hbm4b:s26+s4], $0x80, $0x38;
	[tilespmem:$0x10000] =	vst v63  }
.LBB2_10:
0xdd: {  	[tilespmem:s1], [sflag:$0x3] =	stream.linear.gather [hbm4b:s24+s4], $0x80, $0x38;
	[tilespmem:$0x10000] =	vst v63  }
0xde: {  	s1 =	smov.u32 s17;
	s17 =	smov.u32 s23  }
0xdf: {  	s18 =	sadd.s32 $0x400, s23;
	s17 =	sshra.s32 s17, $0x2;
	s24 =	sadd.s32 $0x8000, s1  }
0xe0: {  	[tilespmem:s24], [sflag:$0x3] =	stream.linear.gather [hbm4b:s22+s4], $0x80, $0x38;
	[tilespmem:$0x10000] =	vst v63  }
0xe1: {  	p0 =	sne.s32 s23, $0x1C00;
	s23 =	sadd.s32 $0x10, s22;
	s24 =	sadd.s32 $0x8800, s1  }
0xe2: {  	[tilespmem:s24], [sflag:$0x3] =	stream.linear.gather [hbm4b:s23+s4], $0x80, $0x38;
	[tilespmem:$0x10000] =	vst v63  }
0xe3: {  	s23 =	sadd.s32 $0x20, s22;
	s24 =	sadd.s32 $0x9000, s1  }
0xe4: {  	[tilespmem:s24], [sflag:$0x3] =	stream.linear.gather [hbm4b:s23+s4], $0x80, $0x38;
	[tilespmem:$0x10000] =	vst v63  }
0xe5: {  	s23 =	sadd.s32 $0x30, s22;
	s24 =	sadd.s32 $0x9800, s1  }
0xe6: {  	[tilespmem:s24], [sflag:$0x3] =	stream.linear.gather [hbm4b:s23+s4], $0x80, $0x38;
	[tilespmem:$0x10000] =	vst v63  }
0xe7: {  	s23 =	sadd.s32 $0x40, s22;
	s24 =	sadd.s32 $0xA000, s1  }
0xe8: {  	[tilespmem:s24], [sflag:$0x3] =	stream.linear.gather [hbm4b:s23+s4], $0x80, $0x38;
	[tilespmem:$0x10000] =	vst v63  }
.Ltmp6:
0xe9: {  	s23 =	sadd.s32 $0x50, s22;
	s24 =	sadd.s32 $0xA800, s1;
	(pc) =	sbr.rel @p0 .LBB2_10-.Ltmp6, $4  }
0xea: {  	[tilespmem:s24], [sflag:$0x3] =	stream.linear.gather [hbm4b:s23+s4], $0x80, $0x38;
	[tilespmem:$0x10000] =	vst v63  }
0xeb: {  	s23 =	sadd.s32 $0x60, s22;
	s24 =	sadd.s32 $0xB000, s1;
	s1 =	sadd.s32 $0xB800, s1  }
0xec: {  	[tilespmem:s24], [sflag:$0x3] =	stream.linear.gather [hbm4b:s23+s4], $0x80, $0x38;
	[tilespmem:$0x10000] =	vst v63  }
0xed: {  	s24 =	sadd.s32 $0x70, s22;
	s22 =	sadd.s32 $0x80, s22;
	s23 =	smov.u32 s18  }
0xee: {  	[tilespmem:s1], [sflag:$0x3] =	stream.linear.gather [hbm4b:s24+s4], $0x80, $0x38;
	[tilespmem:$0x10000] =	vst v63  }
0xef: {  	s28 =	sadd.s32 $0x8000, s17  }
0xf0: {  	[tilespmem:s28], [sflag:$0x3] =	stream.linear.gather [hbm4b:s22+s4], $0x80, $0x38;
	[tilespmem:$0x10000] =	vst v63  }
0xf1: {  	s8 =	sadd.s32 $0x10, s22;
	s18 =	sadd.s32 $0x8800, s17  }
0xf2: {  	[tilespmem:s18], [sflag:$0x3] =	stream.linear.gather [hbm4b:s8+s4], $0x80, $0x38;
	[tilespmem:$0x10000] =	vst v63  }
0xf3: {  	s23 =	sadd.s32 $0x20, s22;
	s24 =	sadd.s32 $0x9000, s17  }
0xf4: {  	[tilespmem:s24], [sflag:$0x3] =	stream.linear.gather [hbm4b:s23+s4], $0x80, $0x38;
	[tilespmem:$0x10000] =	vst v63  }
0xf5: {  	s25 =	sadd.s32 $0x30, s22;
	s26 =	sadd.s32 $0x9800, s17  }
0xf6: {  	[tilespmem:s26], [sflag:$0x3] =	stream.linear.gather [hbm4b:s25+s4], $0x80, $0x38;
	[tilespmem:$0x10000] =	vst v63  }
0xf7: {  	s28 =	sadd.s32 $0x40, s22;
	s8 =	sadd.s32 $0xA000, s17  }
0xf8: {  	[tilespmem:s8], [sflag:$0x3] =	stream.linear.gather [hbm4b:s28+s4], $0x80, $0x38;
	[tilespmem:$0x10000] =	vst v63  }
0xf9: {  	s23 =	sadd.s32 $0x50, s22;
	s24 =	sadd.s32 $0xA800, s17  }
0xfa: {  	[tilespmem:s24], [sflag:$0x3] =	stream.linear.gather [hbm4b:s23+s4], $0x80, $0x38;
	[tilespmem:$0x10000] =	vst v63  }
0xfb: {  	s25 =	sadd.s32 $0x60, s22;
	s26 =	sadd.s32 $0xB000, s17  }
0xfc: {  	[tilespmem:s26], [sflag:$0x3] =	stream.linear.gather [hbm4b:s25+s4], $0x80, $0x38;
	[tilespmem:$0x10000] =	vst v63  }
0xfd: {  	s28 =	sadd.s32 $0x70, s22;
	s8 =	sadd.s32 $0xB800, s17  }
0xfe: {  	[tilespmem:s8], [sflag:$0x3] =	stream.linear.gather [hbm4b:s28+s4], $0x80, $0x38;
	[tilespmem:$0x10000] =	vst v63  }
0xff: {  	s18 =	simm.s32 $0x8080;
	s17 =	simm.s32 $0x0;
	s8 =	rddreg [dreg:$0x8]  }
0x100: {  	[tilespmem:s18], [sflag:$0x3] =	stream.linear.gather [hbm4b:s8+s17], $0x80, $0x38;
	[tilespmem:$0x10000] =	vst v63  }
0x101: {  	s23 =	simm.s32 $0x8880;
	s22 =	sadd.s32 $0x10, s8  }
0x102: {  	[tilespmem:s23], [sflag:$0x3] =	stream.linear.gather [hbm4b:s22+s17], $0x80, $0x38;
	[tilespmem:$0x10000] =	vst v63  }
0x103: {  	s1 =	simm.s32 $0xB880;
	s25 =	simm.s32 $0x9080;
	s24 =	sadd.s32 $0x20, s8  }
0x104: {  	[tilespmem:s25], [sflag:$0x3] =	stream.linear.gather [hbm4b:s24+s17], $0x80, $0x38;
	[tilespmem:$0x10000] =	vst v63  }
0x105: {  	s28 =	simm.s32 $0x9880;
	s26 =	sadd.s32 $0x30, s8;
	s22 =	sadd.s32 $0x40, s8  }
0x106: {  	[tilespmem:s28], [sflag:$0x3] =	stream.linear.gather [hbm4b:s26+s17], $0x80, $0x38;
	[tilespmem:$0x10000] =	vst v63  }
0x107: {  	s23 =	simm.s32 $0xA080;
	s24 =	sadd.s32 $0x50, s8;
	s25 =	simm.s32 $0xA880  }
0x108: {  	[tilespmem:s23], [sflag:$0x3] =	stream.linear.gather [hbm4b:s22+s17], $0x80, $0x38;
	[tilespmem:$0x10000] =	vst v63  }
0x109: {  	s26 =	sadd.s32 $0x60, s8;
	s28 =	simm.s32 $0xB080;
	s22 =	simm.s32 $0x100  }
0x10a: {  	[tilespmem:s25], [sflag:$0x3] =	stream.linear.gather [hbm4b:s24+s17], $0x80, $0x38;
	[tilespmem:$0x10000] =	vst v63  }
0x10b: {  	s23 =	sadd.s32 $0x80, s8;
	s24 =	simm.s32 $0x800;
	s25 =	sadd.s32 $0x70, s8  }
0x10c: {  	[tilespmem:s28], [sflag:$0x3] =	stream.linear.gather [hbm4b:s26+s17], $0x80, $0x38;
	[tilespmem:$0x10000] =	vst v63  }
.LBB2_12:
0x10d: {  	[tilespmem:s1], [sflag:$0x3] =	stream.linear.gather [hbm4b:s25+s17], $0x80, $0x38;
	[tilespmem:$0x10000] =	vst v63  }
0x10e: {  	s1 =	smov.u32 s22;
	s18 =	smov.u32 s24  }
0x10f: {  	s22 =	sshra.s32 s18, $0x2;
	s18 =	sadd.s32 $0x400, s24;
	s25 =	sadd.s32 $0x8080, s1  }
0x110: {  	[tilespmem:s25], [sflag:$0x3] =	stream.linear.gather [hbm4b:s23+s17], $0x80, $0x38;
	[tilespmem:$0x10000] =	vst v63  }
0x111: {  	p0 =	sne.s32 s24, $0x1C00;
	s24 =	sadd.s32 $0x10, s23;
	s25 =	sadd.s32 $0x8880, s1  }
0x112: {  	[tilespmem:s25], [sflag:$0x3] =	stream.linear.gather [hbm4b:s24+s17], $0x80, $0x38;
	[tilespmem:$0x10000] =	vst v63  }
0x113: {  	s24 =	sadd.s32 $0x20, s23;
	s25 =	sadd.s32 $0x9080, s1  }
0x114: {  	[tilespmem:s25], [sflag:$0x3] =	stream.linear.gather [hbm4b:s24+s17], $0x80, $0x38;
	[tilespmem:$0x10000] =	vst v63  }
0x115: {  	s24 =	sadd.s32 $0x30, s23;
	s25 =	sadd.s32 $0x9880, s1  }
0x116: {  	[tilespmem:s25], [sflag:$0x3] =	stream.linear.gather [hbm4b:s24+s17], $0x80, $0x38;
	[tilespmem:$0x10000] =	vst v63  }
0x117: {  	s24 =	sadd.s32 $0x40, s23;
	s25 =	sadd.s32 $0xA080, s1  }
0x118: {  	[tilespmem:s25], [sflag:$0x3] =	stream.linear.gather [hbm4b:s24+s17], $0x80, $0x38;
	[tilespmem:$0x10000] =	vst v63  }
.Ltmp7:
0x119: {  	s24 =	sadd.s32 $0x50, s23;
	s25 =	sadd.s32 $0xA880, s1;
	(pc) =	sbr.rel @p0 .LBB2_12-.Ltmp7, $4  }
0x11a: {  	[tilespmem:s25], [sflag:$0x3] =	stream.linear.gather [hbm4b:s24+s17], $0x80, $0x38;
	[tilespmem:$0x10000] =	vst v63  }
0x11b: {  	s24 =	sadd.s32 $0x60, s23;
	s25 =	sadd.s32 $0xB080, s1;
	s1 =	sadd.s32 $0xB880, s1  }
0x11c: {  	[tilespmem:s25], [sflag:$0x3] =	stream.linear.gather [hbm4b:s24+s17], $0x80, $0x38;
	[tilespmem:$0x10000] =	vst v63  }
0x11d: {  	s25 =	sadd.s32 $0x70, s23;
	s23 =	sadd.s32 $0x80, s23;
	s24 =	smov.u32 s18  }
0x11e: {  	[tilespmem:s1], [sflag:$0x3] =	stream.linear.gather [hbm4b:s25+s17], $0x80, $0x38;
	[tilespmem:$0x10000] =	vst v63  }
0x11f: {  	s25 =	sadd.s32 $0x8080, s22  }
0x120: {  	[tilespmem:s25], [sflag:$0x3] =	stream.linear.gather [hbm4b:s23+s17], $0x80, $0x38;
	[tilespmem:$0x10000] =	vst v63  }
0x121: {  	s26 =	sadd.s32 $0x10, s23;
	s18 =	sadd.s32 $0x8880, s22  }
0x122: {  	[tilespmem:s18], [sflag:$0x3] =	stream.linear.gather [hbm4b:s26+s17], $0x80, $0x38;
	[tilespmem:$0x10000] =	vst v63  }
0x123: {  	s28 =	sadd.s32 $0x20, s23;
	s8 =	sadd.s32 $0x9080, s22  }
0x124: {  	[tilespmem:s8], [sflag:$0x3] =	stream.linear.gather [hbm4b:s28+s17], $0x80, $0x38;
	[tilespmem:$0x10000] =	vst v63  }
0x125: {  	s24 =	sadd.s32 $0x9880, s22;
	s18 =	sadd.s32 $0x30, s23  }
0x126: {  	[tilespmem:s24], [sflag:$0x3] =	stream.linear.gather [hbm4b:s18+s17], $0x80, $0x38;
	[tilespmem:$0x10000] =	vst v63  }
0x127: {  	s25 =	sadd.s32 $0x40, s23;
	s26 =	sadd.s32 $0xA080, s22  }
0x128: {  	[tilespmem:s26], [sflag:$0x3] =	stream.linear.gather [hbm4b:s25+s17], $0x80, $0x38;
	[tilespmem:$0x10000] =	vst v63  }
0x129: {  	s28 =	sadd.s32 $0x50, s23;
	s8 =	sadd.s32 $0xA880, s22  }
0x12a: {  	[tilespmem:s8], [sflag:$0x3] =	stream.linear.gather [hbm4b:s28+s17], $0x80, $0x38;
	[tilespmem:$0x10000] =	vst v63  }
.Ltmp8:
0x12b: {  	_ = 	snop;
	(pc) =	sbr.rel .LBB2_14-.Ltmp8, $4  }
0x12c: {  	s24 =	sadd.s32 $0x60, s23;
	s25 =	sadd.s32 $0xB080, s22  }
0x12d: {  	[tilespmem:s25], [sflag:$0x3] =	stream.linear.gather [hbm4b:s24+s17], $0x80, $0x38;
	[tilespmem:$0x10000] =	vst v63  }
0x12e: {  	s26 =	sadd.s32 $0x70, s23;
	s28 =	sadd.s32 $0xB880, s22  }
0x12f: {  	[tilespmem:s28], [sflag:$0x3] =	stream.linear.gather [hbm4b:s26+s17], $0x80, $0x38;
	[tilespmem:$0x10000] =	vst v63  }
.LBB2_36:
0x130: {  	_ =	swait.ge [sflag:s0], $0x2000  }
0x131: {  	[sflag:s0] =	ssyncset.done $0x0  }
0x132: {  	s1 =	sshll.u32 s22, $0xE;
	[sflag:s0] =	ssyncadd.s32 $0xFFFFE000  }
0x133: {  	s1 =	sadd.s32 s14, s1;
	_ =	swait.ge [sflag:s0], $0x2000  }
0x134: {  	s1 =	sshrl.u32 s1, $0x3;
	[sflag:s0] =	ssyncset.done $0x0  }
0x135: {  	s8 =	simm.s32 $0xC000;
	s1 =	sadd.s32 s3, s1;
	[sflag:s0] =	ssyncadd.s32 $0xFFFFE000  }
0x136: {  	[hbm4b:s1+s20] =	stream.strided.scatter [tilespmem:s8], [sflag:$0x8], $0x800, s21, s20, $0x38;
	[tilespmem:$0x10000] =	vst v63  }
0x137: {  	s18 =	simm.s32 $0xC800;
	s28 =	sadd.s32 $0x20, s1  }
0x138: {  	[hbm4b:s28+s20] =	stream.strided.scatter [tilespmem:s18], [sflag:$0x8], $0x800, s21, s20, $0x38;
	[tilespmem:$0x10000] =	vst v63  }
0x139: {  	s23 =	simm.s32 $0xD000;
	s22 =	sadd.s32 $0x40, s1  }
0x13a: {  	[hbm4b:s22+s20] =	stream.strided.scatter [tilespmem:s23], [sflag:$0x8], $0x800, s21, s20, $0x38;
	[tilespmem:$0x10000] =	vst v63  }
0x13b: {  	s24 =	sadd.s32 $0x60, s1  }
0x13c: {  	[hbm4b:s24+s20] =	stream.strided.scatter [tilespmem:s9], [sflag:$0x8], $0x800, s21, s20, $0x38;
	[tilespmem:$0x10000] =	vst v63  }
0x13d: {  	s17 =	sadd.s32 $0x1, s17;
	s25 =	sadd.s32 $0x400, s1  }
0x13e: {  	[hbm4b:s25+s20] =	stream.strided.scatter [tilespmem:s10], [sflag:$0x8], $0x800, s21, s20, $0x38;
	[tilespmem:$0x10000] =	vst v63  }
0x13f: {  	p0 =	sne.s32 s17, $0x8;
	s26 =	sadd.s32 $0x420, s1  }
0x140: {  	[hbm4b:s26+s20] =	stream.strided.scatter [tilespmem:s11], [sflag:$0x8], $0x800, s21, s20, $0x38;
	[tilespmem:$0x10000] =	vst v63  }
.Ltmp9:
0x141: {  	_ = 	snop;
	(pc) =	sbr.rel @!p0 .LBB2_37-.Ltmp9, $4  }
0x142: {  	s28 =	sadd.s32 $0x440, s1  }
0x143: {  	[hbm4b:s28+s20] =	stream.strided.scatter [tilespmem:s12], [sflag:$0x8], $0x800, s21, s20, $0x38;
	[tilespmem:$0x10000] =	vst v63  }
0x144: {  	s1 =	sadd.s32 $0x460, s1  }
0x145: {  	[hbm4b:s1+s20] =	stream.strided.scatter [tilespmem:s16], [sflag:$0x8], $0x800, s21, s20, $0x38;
	[tilespmem:$0x10000] =	vst v63  }
.LBB2_14:
0x146: {  	s1 =	sshll.u32 s17, $0x2  }
0x147: {  	p0 =	seq.s32 s17, $0x0;
	s22 =	sor.u32 $0x3, s1  }
0x148: {  	s1 =	simm.s32 @!p0 $0x8;
	s18 =	sshll.u32 s22, $0xD  }
0x149: {  	_ =	swait.ge @!p0 [sflag:s1], $0x4000;
	s18 =	sadd.s32 s6, s18  }
0x14a: {  	[sflag:s1] =	ssyncset.done @!p0 $0x0;
	s23 =	sshrl.u32 s18, $0x3  }
0x14b: {  	s26 =	simm.s32 $0xC000;
	[sflag:s1] =	ssyncadd.s32 @!p0 $0xFFFFC000;
	s18 =	sadd.s32 s2, s23  }
0x14c: {  	[tilespmem:s26], [sflag:$0x4] =	stream.linear.gather [hbm4b:s18+s4], $0x80, $0x38;
	[tilespmem:$0x10000] =	vst v63  }
0x14d: {  	s24 =	simm.s32 $0xC800;
	s8 =	sadd.s32 $0x10, s18  }
0x14e: {  	[tilespmem:s24], [sflag:$0x4] =	stream.linear.gather [hbm4b:s8+s4], $0x80, $0x38;
	[tilespmem:$0x10000] =	vst v63  }
0x14f: {  	s25 =	simm.s32 $0xD000;
	s24 =	sadd.s32 $0x20, s18  }
0x150: {  	[tilespmem:s25], [sflag:$0x4] =	stream.linear.gather [hbm4b:s24+s4], $0x80, $0x38;
	[tilespmem:$0x10000] =	vst v63  }
0x151: {  	s26 =	sadd.s32 $0x30, s18;
	s8 =	simm.s32 $0xD800  }
0x152: {  	[tilespmem:s8], [sflag:$0x4] =	stream.linear.gather [hbm4b:s26+s4], $0x80, $0x38;
	[tilespmem:$0x10000] =	vst v63  }
0x153: {  	s24 =	sadd.s32 $0x40, s18;
	s25 =	simm.s32 $0xE000  }
0x154: {  	[tilespmem:s25], [sflag:$0x4] =	stream.linear.gather [hbm4b:s24+s4], $0x80, $0x38;
	[tilespmem:$0x10000] =	vst v63  }
0x155: {  	s1 =	simm.s32 $0xF800;
	s26 =	sadd.s32 $0x50, s18;
	s8 =	simm.s32 $0xE800  }
0x156: {  	[tilespmem:s8], [sflag:$0x4] =	stream.linear.gather [hbm4b:s26+s4], $0x80, $0x38;
	[tilespmem:$0x10000] =	vst v63  }
0x157: {  	s28 =	sadd.s32 $0x70, s18;
	s25 =	sadd.s32 $0x60, s18;
	s26 =	simm.s32 $0xF000  }
0x158: {  	[tilespmem:s26], [sflag:$0x4] =	stream.linear.gather [hbm4b:s25+s4], $0x80, $0x38;
	[tilespmem:$0x10000] =	vst v63  }
0x159: {  	s24 =	simm.s32 $0x100;
	s26 =	simm.s32 $0x800;
	s25 =	sadd.s32 $0x80, s18  }
.LBB2_15:
0x15a: {  	[tilespmem:s1], [sflag:$0x4] =	stream.linear.gather [hbm4b:s28+s4], $0x80, $0x38;
	[tilespmem:$0x10000] =	vst v63  }
0x15b: {  	s1 =	smov.u32 s24;
	s18 =	smov.u32 s26  }
0x15c: {  	s24 =	sshra.s32 s18, $0x2;
	s18 =	sadd.s32 $0x400, s26;
	s28 =	sadd.s32 $0xC000, s1  }
0x15d: {  	[tilespmem:s28], [sflag:$0x4] =	stream.linear.gather [hbm4b:s25+s4], $0x80, $0x38;
	[tilespmem:$0x10000] =	vst v63  }
0x15e: {  	p0 =	sne.s32 s26, $0x1C00;
	s26 =	sadd.s32 $0x10, s25;
	s28 =	sadd.s32 $0xC800, s1  }
0x15f: {  	[tilespmem:s28], [sflag:$0x4] =	stream.linear.gather [hbm4b:s26+s4], $0x80, $0x38;
	[tilespmem:$0x10000] =	vst v63  }
0x160: {  	s26 =	sadd.s32 $0x20, s25;
	s28 =	sadd.s32 $0xD000, s1  }
0x161: {  	[tilespmem:s28], [sflag:$0x4] =	stream.linear.gather [hbm4b:s26+s4], $0x80, $0x38;
	[tilespmem:$0x10000] =	vst v63  }
0x162: {  	s26 =	sadd.s32 $0x30, s25;
	s28 =	sadd.s32 $0xD800, s1  }
0x163: {  	[tilespmem:s28], [sflag:$0x4] =	stream.linear.gather [hbm4b:s26+s4], $0x80, $0x38;
	[tilespmem:$0x10000] =	vst v63  }
0x164: {  	s26 =	sadd.s32 $0x40, s25;
	s28 =	sadd.s32 $0xE000, s1  }
0x165: {  	[tilespmem:s28], [sflag:$0x4] =	stream.linear.gather [hbm4b:s26+s4], $0x80, $0x38;
	[tilespmem:$0x10000] =	vst v63  }
.Ltmp10:
0x166: {  	s26 =	sadd.s32 $0x50, s25;
	s28 =	sadd.s32 $0xE800, s1;
	(pc) =	sbr.rel @p0 .LBB2_15-.Ltmp10, $4  }
0x167: {  	[tilespmem:s28], [sflag:$0x4] =	stream.linear.gather [hbm4b:s26+s4], $0x80, $0x38;
	[tilespmem:$0x10000] =	vst v63  }
0x168: {  	s26 =	sadd.s32 $0x60, s25;
	s28 =	sadd.s32 $0xF000, s1;
	s1 =	sadd.s32 $0xF800, s1  }
0x169: {  	[tilespmem:s28], [sflag:$0x4] =	stream.linear.gather [hbm4b:s26+s4], $0x80, $0x38;
	[tilespmem:$0x10000] =	vst v63  }
0x16a: {  	s28 =	sadd.s32 $0x70, s25;
	s25 =	sadd.s32 $0x80, s25;
	s26 =	smov.u32 s18  }
0x16b: {  	[tilespmem:s1], [sflag:$0x4] =	stream.linear.gather [hbm4b:s28+s4], $0x80, $0x38;
	[tilespmem:$0x10000] =	vst v63  }
0x16c: {  	s18 =	sadd.s32 $0xC000, s24  }
0x16d: {  	[tilespmem:s18], [sflag:$0x4] =	stream.linear.gather [hbm4b:s25+s4], $0x80, $0x38;
	[tilespmem:$0x10000] =	vst v63  }
0x16e: {  	s26 =	sadd.s32 $0x10, s25;
	s18 =	sadd.s32 $0xC800, s24  }
0x16f: {  	[tilespmem:s18], [sflag:$0x4] =	stream.linear.gather [hbm4b:s26+s4], $0x80, $0x38;
	[tilespmem:$0x10000] =	vst v63  }
0x170: {  	s28 =	sadd.s32 $0x20, s25;
	s8 =	sadd.s32 $0xD000, s24  }
0x171: {  	[tilespmem:s8], [sflag:$0x4] =	stream.linear.gather [hbm4b:s28+s4], $0x80, $0x38;
	[tilespmem:$0x10000] =	vst v63  }
0x172: {  	s18 =	sadd.s32 $0x30, s25;
	s26 =	sadd.s32 $0xD800, s24  }
0x173: {  	[tilespmem:s26], [sflag:$0x4] =	stream.linear.gather [hbm4b:s18+s4], $0x80, $0x38;
	[tilespmem:$0x10000] =	vst v63  }
0x174: {  	s28 =	sadd.s32 $0x40, s25;
	s8 =	sadd.s32 $0xE000, s24  }
0x175: {  	[tilespmem:s8], [sflag:$0x4] =	stream.linear.gather [hbm4b:s28+s4], $0x80, $0x38;
	[tilespmem:$0x10000] =	vst v63  }
0x176: {  	s18 =	sadd.s32 $0x50, s25;
	s26 =	sadd.s32 $0xE800, s24  }
0x177: {  	[tilespmem:s26], [sflag:$0x4] =	stream.linear.gather [hbm4b:s18+s4], $0x80, $0x38;
	[tilespmem:$0x10000] =	vst v63  }
0x178: {  	s28 =	sadd.s32 $0x60, s25;
	s8 =	sadd.s32 $0xF000, s24  }
0x179: {  	[tilespmem:s8], [sflag:$0x4] =	stream.linear.gather [hbm4b:s28+s4], $0x80, $0x38;
	[tilespmem:$0x10000] =	vst v63  }
0x17a: {  	s24 =	sadd.s32 $0xF800, s24;
	s18 =	sadd.s32 $0x70, s25;
	s25 =	sor.u32 $0x40000, s23  }
0x17b: {  	[tilespmem:s24], [sflag:$0x4] =	stream.linear.gather [hbm4b:s18+s4], $0x80, $0x38;
	[tilespmem:$0x10000] =	vst v63  }
0x17c: {  	s26 =	simm.s32 $0xC080;
	s18 =	sadd.s32 s2, s25  }
0x17d: {  	[tilespmem:s26], [sflag:$0x4] =	stream.linear.gather [hbm4b:s18+s4], $0x80, $0x38;
	[tilespmem:$0x10000] =	vst v63  }
0x17e: {  	s8 =	simm.s32 $0xC880;
	s28 =	sadd.s32 $0x10, s18  }
0x17f: {  	[tilespmem:s8], [sflag:$0x4] =	stream.linear.gather [hbm4b:s28+s4], $0x80, $0x38;
	[tilespmem:$0x10000] =	vst v63  }
0x180: {  	s24 =	simm.s32 $0xD080;
	s23 =	sadd.s32 $0x20, s18  }
0x181: {  	[tilespmem:s24], [sflag:$0x4] =	stream.linear.gather [hbm4b:s23+s4], $0x80, $0x38;
	[tilespmem:$0x10000] =	vst v63  }
0x182: {  	s25 =	sadd.s32 $0x30, s18;
	s26 =	simm.s32 $0xD880  }
0x183: {  	[tilespmem:s26], [sflag:$0x4] =	stream.linear.gather [hbm4b:s25+s4], $0x80, $0x38;
	[tilespmem:$0x10000] =	vst v63  }
0x184: {  	s28 =	sadd.s32 $0x40, s18;
	s8 =	simm.s32 $0xE080  }
0x185: {  	[tilespmem:s8], [sflag:$0x4] =	stream.linear.gather [hbm4b:s28+s4], $0x80, $0x38;
	[tilespmem:$0x10000] =	vst v63  }
0x186: {  	s1 =	simm.s32 $0xF880;
	s24 =	sadd.s32 $0x50, s18;
	s25 =	simm.s32 $0xE880  }
0x187: {  	[tilespmem:s25], [sflag:$0x4] =	stream.linear.gather [hbm4b:s24+s4], $0x80, $0x38;
	[tilespmem:$0x10000] =	vst v63  }
0x188: {  	s23 =	simm.s32 $0x100;
	s26 =	sadd.s32 $0x60, s18;
	s28 =	simm.s32 $0xF080  }
0x189: {  	[tilespmem:s28], [sflag:$0x4] =	stream.linear.gather [hbm4b:s26+s4], $0x80, $0x38;
	[tilespmem:$0x10000] =	vst v63  }
0x18a: {  	s25 =	simm.s32 $0x800;
	s24 =	sadd.s32 $0x80, s18;
	s26 =	sadd.s32 $0x70, s18  }
.LBB2_17:
0x18b: {  	[tilespmem:s1], [sflag:$0x4] =	stream.linear.gather [hbm4b:s26+s4], $0x80, $0x38;
	[tilespmem:$0x10000] =	vst v63  }
0x18c: {  	s1 =	smov.u32 s23;
	s18 =	smov.u32 s25  }
0x18d: {  	s23 =	sshra.s32 s18, $0x2;
	s18 =	sadd.s32 $0x400, s25;
	s26 =	sadd.s32 $0xC080, s1  }
0x18e: {  	[tilespmem:s26], [sflag:$0x4] =	stream.linear.gather [hbm4b:s24+s4], $0x80, $0x38;
	[tilespmem:$0x10000] =	vst v63  }
0x18f: {  	p0 =	sne.s32 s25, $0x1C00;
	s25 =	sadd.s32 $0x10, s24;
	s26 =	sadd.s32 $0xC880, s1  }
0x190: {  	[tilespmem:s26], [sflag:$0x4] =	stream.linear.gather [hbm4b:s25+s4], $0x80, $0x38;
	[tilespmem:$0x10000] =	vst v63  }
0x191: {  	s25 =	sadd.s32 $0x20, s24;
	s26 =	sadd.s32 $0xD080, s1  }
0x192: {  	[tilespmem:s26], [sflag:$0x4] =	stream.linear.gather [hbm4b:s25+s4], $0x80, $0x38;
	[tilespmem:$0x10000] =	vst v63  }
0x193: {  	s25 =	sadd.s32 $0x30, s24;
	s26 =	sadd.s32 $0xD880, s1  }
0x194: {  	[tilespmem:s26], [sflag:$0x4] =	stream.linear.gather [hbm4b:s25+s4], $0x80, $0x38;
	[tilespmem:$0x10000] =	vst v63  }
0x195: {  	s25 =	sadd.s32 $0x40, s24;
	s26 =	sadd.s32 $0xE080, s1  }
0x196: {  	[tilespmem:s26], [sflag:$0x4] =	stream.linear.gather [hbm4b:s25+s4], $0x80, $0x38;
	[tilespmem:$0x10000] =	vst v63  }
.Ltmp11:
0x197: {  	s25 =	sadd.s32 $0x50, s24;
	s26 =	sadd.s32 $0xE880, s1;
	(pc) =	sbr.rel @p0 .LBB2_17-.Ltmp11, $4  }
0x198: {  	[tilespmem:s26], [sflag:$0x4] =	stream.linear.gather [hbm4b:s25+s4], $0x80, $0x38;
	[tilespmem:$0x10000] =	vst v63  }
0x199: {  	s25 =	sadd.s32 $0x60, s24;
	s26 =	sadd.s32 $0xF080, s1;
	s1 =	sadd.s32 $0xF880, s1  }
0x19a: {  	[tilespmem:s26], [sflag:$0x4] =	stream.linear.gather [hbm4b:s25+s4], $0x80, $0x38;
	[tilespmem:$0x10000] =	vst v63  }
0x19b: {  	s26 =	sadd.s32 $0x70, s24;
	s24 =	sadd.s32 $0x80, s24;
	s25 =	smov.u32 s18  }
0x19c: {  	[tilespmem:s1], [sflag:$0x4] =	stream.linear.gather [hbm4b:s26+s4], $0x80, $0x38;
	[tilespmem:$0x10000] =	vst v63  }
0x19d: {  	s25 =	sadd.s32 $0xC080, s23  }
0x19e: {  	[tilespmem:s25], [sflag:$0x4] =	stream.linear.gather [hbm4b:s24+s4], $0x80, $0x38;
	[tilespmem:$0x10000] =	vst v63  }
0x19f: {  	s26 =	sadd.s32 $0x10, s24;
	s18 =	sadd.s32 $0xC880, s23  }
0x1a0: {  	[tilespmem:s18], [sflag:$0x4] =	stream.linear.gather [hbm4b:s26+s4], $0x80, $0x38;
	[tilespmem:$0x10000] =	vst v63  }
0x1a1: {  	s28 =	sadd.s32 $0x20, s24;
	s8 =	sadd.s32 $0xD080, s23  }
0x1a2: {  	[tilespmem:s8], [sflag:$0x4] =	stream.linear.gather [hbm4b:s28+s4], $0x80, $0x38;
	[tilespmem:$0x10000] =	vst v63  }
0x1a3: {  	s25 =	sadd.s32 $0x30, s24;
	s26 =	sadd.s32 $0xD880, s23  }
0x1a4: {  	[tilespmem:s26], [sflag:$0x4] =	stream.linear.gather [hbm4b:s25+s4], $0x80, $0x38;
	[tilespmem:$0x10000] =	vst v63  }
0x1a5: {  	s28 =	sadd.s32 $0x40, s24;
	s8 =	sadd.s32 $0xE080, s23  }
0x1a6: {  	[tilespmem:s8], [sflag:$0x4] =	stream.linear.gather [hbm4b:s28+s4], $0x80, $0x38;
	[tilespmem:$0x10000] =	vst v63  }
0x1a7: {  	s25 =	sadd.s32 $0x50, s24;
	s26 =	sadd.s32 $0xE880, s23  }
0x1a8: {  	[tilespmem:s26], [sflag:$0x4] =	stream.linear.gather [hbm4b:s25+s4], $0x80, $0x38;
	[tilespmem:$0x10000] =	vst v63  }
0x1a9: {  	s28 =	sadd.s32 $0x60, s24;
	s8 =	sadd.s32 $0xF080, s23  }
0x1aa: {  	[tilespmem:s8], [sflag:$0x4] =	stream.linear.gather [hbm4b:s28+s4], $0x80, $0x38;
	[tilespmem:$0x10000] =	vst v63  }
0x1ab: {  	s24 =	sadd.s32 $0x70, s24;
	s25 =	sadd.s32 $0xF880, s23  }
0x1ac: {  	[tilespmem:s25], [sflag:$0x4] =	stream.linear.gather [hbm4b:s24+s4], $0x80, $0x38;
	[tilespmem:$0x10000] =	vst v63  }
0x1ad: {  	_ =	swait.ge [sflag:s19], $0x2000  }
0x1ae: {  	[sflag:s19] =	ssyncset.done $0x0  }
0x1af: {  	s26 =	sshll.u32 s17, $0x10;
	[sflag:s19] =	ssyncadd.s32 $0xFFFFE000  }
0x1b0: {  	s1 =	sadd.s32 s14, s26;
	_ =	swait.ge [sflag:s19], $0x2000  }
0x1b1: {  	s1 =	sshrl.u32 s1, $0x3;
	[sflag:s19] =	ssyncset.done $0x0  }
0x1b2: {  	s1 =	sadd.s32 s3, s1;
	[sflag:s19] =	ssyncadd.s32 $0xFFFFE000  }
0x1b3: {  	[hbm4b:s1+s20] =	stream.strided.scatter [tilespmem:s4], [sflag:$0x5], $0x800, s21, s20, $0x38;
	[tilespmem:$0x10000] =	vst v63  }
0x1b4: {  	s8 =	simm.s32 $0x800;
	s28 =	sadd.s32 $0x20, s1  }
0x1b5: {  	[hbm4b:s28+s20] =	stream.strided.scatter [tilespmem:s8], [sflag:$0x5], $0x800, s21, s20, $0x38;
	[tilespmem:$0x10000] =	vst v63  }
0x1b6: {  	s23 =	simm.s32 $0x1000;
	s8 =	sadd.s32 $0x40, s1  }
0x1b7: {  	[hbm4b:s8+s20] =	stream.strided.scatter [tilespmem:s23], [sflag:$0x5], $0x800, s21, s20, $0x38;
	[tilespmem:$0x10000] =	vst v63  }
0x1b8: {  	s24 =	sadd.s32 $0x60, s1;
	s25 =	simm.s32 $0x1800  }
0x1b9: {  	[hbm4b:s24+s20] =	stream.strided.scatter [tilespmem:s25], [sflag:$0x5], $0x800, s21, s20, $0x38;
	[tilespmem:$0x10000] =	vst v63  }
0x1ba: {  	s26 =	sadd.s32 $0x400, s1;
	s28 =	simm.s32 $0x2000  }
0x1bb: {  	[hbm4b:s26+s20] =	stream.strided.scatter [tilespmem:s28], [sflag:$0x5], $0x800, s21, s20, $0x38;
	[tilespmem:$0x10000] =	vst v63  }
0x1bc: {  	s23 =	sadd.s32 $0x420, s1;
	s24 =	simm.s32 $0x2800  }
0x1bd: {  	[hbm4b:s23+s20] =	stream.strided.scatter [tilespmem:s24], [sflag:$0x5], $0x800, s21, s20, $0x38;
	[tilespmem:$0x10000] =	vst v63  }
0x1be: {  	p0 =	seq.s32 s17, $0x7;
	s25 =	sadd.s32 $0x440, s1;
	s26 =	simm.s32 $0x3000  }
0x1bf: {  	[hbm4b:s25+s20] =	stream.strided.scatter [tilespmem:s26], [sflag:$0x5], $0x800, s21, s20, $0x38;
	[tilespmem:$0x10000] =	vst v63  }
.Ltmp12:
0x1c0: {  	s1 =	sadd.s32 $0x460, s1;
	s28 =	simm.s32 $0x3800;
	(pc) =	sbr.rel @p0 .LBB2_24-.Ltmp12, $4  }
0x1c1: {  	[hbm4b:s1+s20] =	stream.strided.scatter [tilespmem:s28], [sflag:$0x5], $0x800, s21, s20, $0x38;
	[tilespmem:$0x10000] =	vst v63  }
0x1c2: {  	_ =	swait.ge [sflag:s30], $0x4000  }
0x1c3: {  	[sflag:s30] =	ssyncset.done $0x0  }
0x1c4: {  	[sflag:s30] =	ssyncadd.s32 $0xFFFFC000  }
0x1c5: {  	s1 =	sshll.u32 s17, $0xF;
	s8 =	rddreg [dreg:$0x9]  }
0x1c6: {  	s1 =	sadd.s32 s1, s8  }
0x1c7: {  	s1 =	sshrl.u32 s1, $0x3  }
0x1c8: {  	s28 =	simm.s32 $0x0;
	s23 =	sadd.s32 s2, s1  }
0x1c9: {  	[tilespmem:s28], [sflag:$0x1] =	stream.linear.gather [hbm4b:s23+s4], $0x80, $0x38;
	[tilespmem:$0x10000] =	vst v63  }
0x1ca: {  	s18 =	simm.s32 $0x800;
	s8 =	sadd.s32 $0x10, s23  }
0x1cb: {  	[tilespmem:s18], [sflag:$0x1] =	stream.linear.gather [hbm4b:s8+s4], $0x80, $0x38;
	[tilespmem:$0x10000] =	vst v63  }
0x1cc: {  	s24 =	simm.s32 $0x1000;
	s18 =	sadd.s32 $0x20, s23  }
0x1cd: {  	[tilespmem:s24], [sflag:$0x1] =	stream.linear.gather [hbm4b:s18+s4], $0x80, $0x38;
	[tilespmem:$0x10000] =	vst v63  }
0x1ce: {  	s26 =	simm.s32 $0x1800;
	s25 =	sadd.s32 $0x30, s23;
	s28 =	sadd.s32 $0x40, s23  }
0x1cf: {  	[tilespmem:s26], [sflag:$0x1] =	stream.linear.gather [hbm4b:s25+s4], $0x80, $0x38;
	[tilespmem:$0x10000] =	vst v63  }
0x1d0: {  	s1 =	sadd.s32 $0x70, s23;
	s8 =	simm.s32 $0x2000;
	s24 =	sadd.s32 $0x50, s23  }
0x1d1: {  	[tilespmem:s8], [sflag:$0x1] =	stream.linear.gather [hbm4b:s28+s4], $0x80, $0x38;
	[tilespmem:$0x10000] =	vst v63  }
0x1d2: {  	s18 =	simm.s32 $0x3800;
	s25 =	simm.s32 $0x2800;
	s26 =	sadd.s32 $0x60, s23  }
0x1d3: {  	[tilespmem:s25], [sflag:$0x1] =	stream.linear.gather [hbm4b:s24+s4], $0x80, $0x38;
	[tilespmem:$0x10000] =	vst v63  }
0x1d4: {  	s28 =	simm.s32 $0x3000;
	s24 =	simm.s32 $0x400;
	s25 =	sadd.s32 $0x80, s23  }
0x1d5: {  	[tilespmem:s28], [sflag:$0x1] =	stream.linear.gather [hbm4b:s26+s4], $0x80, $0x38;
	[tilespmem:$0x10000] =	vst v63  }
.LBB2_20:
0x1d6: {  	[tilespmem:s18], [sflag:$0x1] =	stream.linear.gather [hbm4b:s1+s4], $0x80, $0x38;
	[tilespmem:$0x10000] =	vst v63  }
0x1d7: {  	s18 =	sshra.s32 s24, $0x2;
	p1 =	sne.s32 s24, $0x1C00;
	s24 =	sadd.s32 $0x400, s24  }
0x1d8: {  	[tilespmem:s18], [sflag:$0x1] =	stream.linear.gather [hbm4b:s25+s4], $0x80, $0x38;
	[tilespmem:$0x10000] =	vst v63  }
0x1d9: {  	s1 =	sadd.s32 $0x10, s25;
	s26 =	sadd.s32 $0x800, s18  }
0x1da: {  	[tilespmem:s26], [sflag:$0x1] =	stream.linear.gather [hbm4b:s1+s4], $0x80, $0x38;
	[tilespmem:$0x10000] =	vst v63  }
0x1db: {  	s1 =	sadd.s32 $0x20, s25;
	s26 =	sadd.s32 $0x1000, s18  }
0x1dc: {  	[tilespmem:s26], [sflag:$0x1] =	stream.linear.gather [hbm4b:s1+s4], $0x80, $0x38;
	[tilespmem:$0x10000] =	vst v63  }
0x1dd: {  	s1 =	sadd.s32 $0x30, s25;
	s26 =	sadd.s32 $0x1800, s18  }
0x1de: {  	[tilespmem:s26], [sflag:$0x1] =	stream.linear.gather [hbm4b:s1+s4], $0x80, $0x38;
	[tilespmem:$0x10000] =	vst v63  }
0x1df: {  	s1 =	sadd.s32 $0x40, s25;
	s26 =	sadd.s32 $0x2000, s18  }
0x1e0: {  	[tilespmem:s26], [sflag:$0x1] =	stream.linear.gather [hbm4b:s1+s4], $0x80, $0x38;
	[tilespmem:$0x10000] =	vst v63  }
.Ltmp13:
0x1e1: {  	s1 =	sadd.s32 $0x50, s25;
	s26 =	sadd.s32 $0x2800, s18;
	(pc) =	sbr.rel @p1 .LBB2_20-.Ltmp13, $4  }
0x1e2: {  	[tilespmem:s26], [sflag:$0x1] =	stream.linear.gather [hbm4b:s1+s4], $0x80, $0x38;
	[tilespmem:$0x10000] =	vst v63  }
0x1e3: {  	s1 =	sadd.s32 $0x60, s25;
	s26 =	sadd.s32 $0x3000, s18  }
0x1e4: {  	[tilespmem:s26], [sflag:$0x1] =	stream.linear.gather [hbm4b:s1+s4], $0x80, $0x38;
	[tilespmem:$0x10000] =	vst v63  }
0x1e5: {  	s18 =	sadd.s32 $0x3800, s18;
	s1 =	sadd.s32 $0x70, s25;
	s25 =	sadd.s32 $0x80, s25  }
0x1e6: {  	[tilespmem:s18], [sflag:$0x1] =	stream.linear.gather [hbm4b:s1+s4], $0x80, $0x38;
	[tilespmem:$0x10000] =	vst v63  }
0x1e7: {  	s18 =	sadd.s32 $0x40000, s23;
	s26 =	simm.s32 $0x80  }
0x1e8: {  	[tilespmem:s26], [sflag:$0x1] =	stream.linear.gather [hbm4b:s18+s4], $0x80, $0x38;
	[tilespmem:$0x10000] =	vst v63  }
0x1e9: {  	s8 =	simm.s32 $0x880;
	s28 =	sadd.s32 $0x10, s18  }
0x1ea: {  	[tilespmem:s8], [sflag:$0x1] =	stream.linear.gather [hbm4b:s28+s4], $0x80, $0x38;
	[tilespmem:$0x10000] =	vst v63  }
0x1eb: {  	s24 =	simm.s32 $0x1080;
	s23 =	sadd.s32 $0x20, s18  }
0x1ec: {  	[tilespmem:s24], [sflag:$0x1] =	stream.linear.gather [hbm4b:s23+s4], $0x80, $0x38;
	[tilespmem:$0x10000] =	vst v63  }
0x1ed: {  	s25 =	sadd.s32 $0x30, s18;
	s26 =	simm.s32 $0x1880  }
0x1ee: {  	[tilespmem:s26], [sflag:$0x1] =	stream.linear.gather [hbm4b:s25+s4], $0x80, $0x38;
	[tilespmem:$0x10000] =	vst v63  }
0x1ef: {  	s28 =	sadd.s32 $0x40, s18;
	s8 =	simm.s32 $0x2080  }
0x1f0: {  	[tilespmem:s8], [sflag:$0x1] =	stream.linear.gather [hbm4b:s28+s4], $0x80, $0x38;
	[tilespmem:$0x10000] =	vst v63  }
0x1f1: {  	s1 =	simm.s32 $0x3880;
	s24 =	sadd.s32 $0x50, s18;
	s25 =	simm.s32 $0x2880  }
0x1f2: {  	[tilespmem:s25], [sflag:$0x1] =	stream.linear.gather [hbm4b:s24+s4], $0x80, $0x38;
	[tilespmem:$0x10000] =	vst v63  }
0x1f3: {  	s23 =	simm.s32 $0x100;
	s26 =	sadd.s32 $0x60, s18;
	s28 =	simm.s32 $0x3080  }
0x1f4: {  	[tilespmem:s28], [sflag:$0x1] =	stream.linear.gather [hbm4b:s26+s4], $0x80, $0x38;
	[tilespmem:$0x10000] =	vst v63  }
0x1f5: {  	s25 =	simm.s32 $0x800;
	s24 =	sadd.s32 $0x80, s18;
	s26 =	sadd.s32 $0x70, s18  }
.LBB2_22:
0x1f6: {  	[tilespmem:s1], [sflag:$0x1] =	stream.linear.gather [hbm4b:s26+s4], $0x80, $0x38;
	[tilespmem:$0x10000] =	vst v63  }
0x1f7: {  	s1 =	smov.u32 s23;
	s18 =	smov.u32 s25  }
0x1f8: {  	s23 =	sshra.s32 s18, $0x2;
	s18 =	sadd.s32 $0x400, s25;
	s26 =	sadd.s32 $0x80, s1  }
0x1f9: {  	[tilespmem:s26], [sflag:$0x1] =	stream.linear.gather [hbm4b:s24+s4], $0x80, $0x38;
	[tilespmem:$0x10000] =	vst v63  }
0x1fa: {  	p1 =	sne.s32 s25, $0x1C00;
	s25 =	sadd.s32 $0x10, s24;
	s26 =	sadd.s32 $0x880, s1  }
0x1fb: {  	[tilespmem:s26], [sflag:$0x1] =	stream.linear.gather [hbm4b:s25+s4], $0x80, $0x38;
	[tilespmem:$0x10000] =	vst v63  }
0x1fc: {  	s25 =	sadd.s32 $0x20, s24;
	s26 =	sadd.s32 $0x1080, s1  }
0x1fd: {  	[tilespmem:s26], [sflag:$0x1] =	stream.linear.gather [hbm4b:s25+s4], $0x80, $0x38;
	[tilespmem:$0x10000] =	vst v63  }
0x1fe: {  	s25 =	sadd.s32 $0x30, s24;
	s26 =	sadd.s32 $0x1880, s1  }
0x1ff: {  	[tilespmem:s26], [sflag:$0x1] =	stream.linear.gather [hbm4b:s25+s4], $0x80, $0x38;
	[tilespmem:$0x10000] =	vst v63  }
0x200: {  	s25 =	sadd.s32 $0x40, s24;
	s26 =	sadd.s32 $0x2080, s1  }
0x201: {  	[tilespmem:s26], [sflag:$0x1] =	stream.linear.gather [hbm4b:s25+s4], $0x80, $0x38;
	[tilespmem:$0x10000] =	vst v63  }
.Ltmp14:
0x202: {  	s25 =	sadd.s32 $0x50, s24;
	s26 =	sadd.s32 $0x2880, s1;
	(pc) =	sbr.rel @p1 .LBB2_22-.Ltmp14, $4  }
0x203: {  	[tilespmem:s26], [sflag:$0x1] =	stream.linear.gather [hbm4b:s25+s4], $0x80, $0x38;
	[tilespmem:$0x10000] =	vst v63  }
0x204: {  	s25 =	sadd.s32 $0x60, s24;
	s26 =	sadd.s32 $0x3080, s1;
	s1 =	sadd.s32 $0x3880, s1  }
0x205: {  	[tilespmem:s26], [sflag:$0x1] =	stream.linear.gather [hbm4b:s25+s4], $0x80, $0x38;
	[tilespmem:$0x10000] =	vst v63  }
0x206: {  	s26 =	sadd.s32 $0x70, s24;
	s24 =	sadd.s32 $0x80, s24;
	s25 =	smov.u32 s18  }
0x207: {  	[tilespmem:s1], [sflag:$0x1] =	stream.linear.gather [hbm4b:s26+s4], $0x80, $0x38;
	[tilespmem:$0x10000] =	vst v63  }
0x208: {  	s28 =	sadd.s32 $0x80, s23  }
0x209: {  	[tilespmem:s28], [sflag:$0x1] =	stream.linear.gather [hbm4b:s24+s4], $0x80, $0x38;
	[tilespmem:$0x10000] =	vst v63  }
0x20a: {  	s8 =	sadd.s32 $0x10, s24;
	s18 =	sadd.s32 $0x880, s23  }
0x20b: {  	[tilespmem:s18], [sflag:$0x1] =	stream.linear.gather [hbm4b:s8+s4], $0x80, $0x38;
	[tilespmem:$0x10000] =	vst v63  }
0x20c: {  	s25 =	sadd.s32 $0x20, s24;
	s26 =	sadd.s32 $0x1080, s23  }
0x20d: {  	[tilespmem:s26], [sflag:$0x1] =	stream.linear.gather [hbm4b:s25+s4], $0x80, $0x38;
	[tilespmem:$0x10000] =	vst v63  }
0x20e: {  	s28 =	sadd.s32 $0x30, s24;
	s8 =	sadd.s32 $0x1880, s23  }
0x20f: {  	[tilespmem:s8], [sflag:$0x1] =	stream.linear.gather [hbm4b:s28+s4], $0x80, $0x38;
	[tilespmem:$0x10000] =	vst v63  }
0x210: {  	s25 =	sadd.s32 $0x40, s24;
	s26 =	sadd.s32 $0x2080, s23  }
0x211: {  	[tilespmem:s26], [sflag:$0x1] =	stream.linear.gather [hbm4b:s25+s4], $0x80, $0x38;
	[tilespmem:$0x10000] =	vst v63  }
0x212: {  	s28 =	sadd.s32 $0x50, s24;
	s8 =	sadd.s32 $0x2880, s23  }
0x213: {  	[tilespmem:s8], [sflag:$0x1] =	stream.linear.gather [hbm4b:s28+s4], $0x80, $0x38;
	[tilespmem:$0x10000] =	vst v63  }
0x214: {  	s18 =	sadd.s32 $0x60, s24;
	s25 =	sadd.s32 $0x3080, s23  }
0x215: {  	[tilespmem:s25], [sflag:$0x1] =	stream.linear.gather [hbm4b:s18+s4], $0x80, $0x38;
	[tilespmem:$0x10000] =	vst v63  }
0x216: {  	s26 =	sadd.s32 $0x70, s24;
	s28 =	sadd.s32 $0x3880, s23  }
0x217: {  	[tilespmem:s28], [sflag:$0x1] =	stream.linear.gather [hbm4b:s26+s4], $0x80, $0x38;
	[tilespmem:$0x10000] =	vst v63  }
.LBB2_24:
0x218: {  	s1 =	sshll.u32 s17, $0x5  }
0x219: {  	_ =	swait.ge [sflag:s31], $0x2000;
	s1 =	sadd.s32 s1, s7  }
0x21a: {  	[sflag:s31] =	ssyncset.done $0x0;
	s1 =	sshll.u32 s1, $0xB  }
0x21b: {  	[sflag:s31] =	ssyncadd.s32 $0xFFFFE000;
	s23 =	sadd.s32 s5, s1  }
0x21c: {  	_ =	swait.ge [sflag:s31], $0x2000;
	s1 =	sadd.s32 $0x4000, s23  }
0x21d: {  	[sflag:s31] =	ssyncset.done $0x0;
	s1 =	sshrl.u32 s1, $0x3  }
0x21e: {  	s8 =	simm.s32 $0x4000;
	[sflag:s31] =	ssyncadd.s32 $0xFFFFE000;
	s1 =	sadd.s32 s3, s1  }
0x21f: {  	[hbm4b:s1+s20] =	stream.strided.scatter [tilespmem:s8], [sflag:$0x6], $0x800, s21, s20, $0x38;
	[tilespmem:$0x10000] =	vst v63  }
0x220: {  	s25 =	simm.s32 $0x4800;
	s18 =	sadd.s32 $0x20, s1  }
0x221: {  	[hbm4b:s18+s20] =	stream.strided.scatter [tilespmem:s25], [sflag:$0x6], $0x800, s21, s20, $0x38;
	[tilespmem:$0x10000] =	vst v63  }
0x222: {  	s28 =	simm.s32 $0x5000;
	s26 =	sadd.s32 $0x40, s1  }
0x223: {  	[hbm4b:s26+s20] =	stream.strided.scatter [tilespmem:s28], [sflag:$0x6], $0x800, s21, s20, $0x38;
	[tilespmem:$0x10000] =	vst v63  }
0x224: {  	s24 =	sadd.s32 $0x60, s1;
	s25 =	simm.s32 $0x5800  }
0x225: {  	[hbm4b:s24+s20] =	stream.strided.scatter [tilespmem:s25], [sflag:$0x6], $0x800, s21, s20, $0x38;
	[tilespmem:$0x10000] =	vst v63  }
0x226: {  	s26 =	sadd.s32 $0x400, s1;
	s28 =	simm.s32 $0x6000  }
0x227: {  	[hbm4b:s26+s20] =	stream.strided.scatter [tilespmem:s28], [sflag:$0x6], $0x800, s21, s20, $0x38;
	[tilespmem:$0x10000] =	vst v63  }
0x228: {  	s8 =	sadd.s32 $0x420, s1;
	s24 =	simm.s32 $0x6800  }
0x229: {  	[hbm4b:s8+s20] =	stream.strided.scatter [tilespmem:s24], [sflag:$0x6], $0x800, s21, s20, $0x38;
	[tilespmem:$0x10000] =	vst v63  }
0x22a: {  	s25 =	sadd.s32 $0x440, s1;
	s26 =	simm.s32 $0x7000  }
0x22b: {  	[hbm4b:s25+s20] =	stream.strided.scatter [tilespmem:s26], [sflag:$0x6], $0x800, s21, s20, $0x38;
	[tilespmem:$0x10000] =	vst v63  }
.Ltmp15:
0x22c: {  	s1 =	sadd.s32 $0x460, s1;
	s28 =	simm.s32 $0x7800;
	(pc) =	sbr.rel @p0 .LBB2_30-.Ltmp15, $4  }
0x22d: {  	[hbm4b:s1+s20] =	stream.strided.scatter [tilespmem:s28], [sflag:$0x6], $0x800, s21, s20, $0x38;
	[tilespmem:$0x10000] =	vst v63  }
0x22e: {  	_ =	swait.ge [sflag:s13], $0x4000  }
0x22f: {  	[sflag:s13] =	ssyncset.done $0x0  }
0x230: {  	[sflag:s13] =	ssyncadd.s32 $0xFFFFC000  }
0x231: {  	s1 =	sshll.u32 s17, $0xF;
	s8 =	rddreg [dreg:$0xa]  }
0x232: {  	s1 =	sadd.s32 s1, s8  }
0x233: {  	s1 =	sshrl.u32 s1, $0x3  }
0x234: {  	s26 =	simm.s32 $0x4000;
	s24 =	sadd.s32 s2, s1  }
0x235: {  	[tilespmem:s26], [sflag:$0x2] =	stream.linear.gather [hbm4b:s24+s4], $0x80, $0x38;
	[tilespmem:$0x10000] =	vst v63  }
0x236: {  	s18 =	simm.s32 $0x4800;
	s8 =	sadd.s32 $0x10, s24  }
0x237: {  	[tilespmem:s18], [sflag:$0x2] =	stream.linear.gather [hbm4b:s8+s4], $0x80, $0x38;
	[tilespmem:$0x10000] =	vst v63  }
0x238: {  	s25 =	simm.s32 $0x5000;
	s18 =	sadd.s32 $0x20, s24  }
0x239: {  	[tilespmem:s25], [sflag:$0x2] =	stream.linear.gather [hbm4b:s18+s4], $0x80, $0x38;
	[tilespmem:$0x10000] =	vst v63  }
0x23a: {  	s26 =	sadd.s32 $0x30, s24;
	s8 =	simm.s32 $0x5800  }
0x23b: {  	[tilespmem:s8], [sflag:$0x2] =	stream.linear.gather [hbm4b:s26+s4], $0x80, $0x38;
	[tilespmem:$0x10000] =	vst v63  }
0x23c: {  	s18 =	sadd.s32 $0x40, s24;
	s25 =	simm.s32 $0x6000  }
0x23d: {  	[tilespmem:s25], [sflag:$0x2] =	stream.linear.gather [hbm4b:s18+s4], $0x80, $0x38;
	[tilespmem:$0x10000] =	vst v63  }
0x23e: {  	s28 =	simm.s32 $0x800;
	s26 =	sadd.s32 $0x50, s24;
	s8 =	simm.s32 $0x6800  }
0x23f: {  	[tilespmem:s8], [sflag:$0x2] =	stream.linear.gather [hbm4b:s26+s4], $0x80, $0x38;
	[tilespmem:$0x10000] =	vst v63  }
0x240: {  	s1 =	sadd.s32 $0x70, s24;
	s25 =	sadd.s32 $0x60, s24;
	s26 =	simm.s32 $0x7000  }
0x241: {  	[tilespmem:s26], [sflag:$0x2] =	stream.linear.gather [hbm4b:s25+s4], $0x80, $0x38;
	[tilespmem:$0x10000] =	vst v63  }
0x242: {  	s18 =	simm.s32 $0x7800;
	s25 =	simm.s32 $0x100;
	s26 =	sadd.s32 $0x80, s24  }
.LBB2_26:
0x243: {  	[tilespmem:s18], [sflag:$0x2] =	stream.linear.gather [hbm4b:s1+s4], $0x80, $0x38;
	[tilespmem:$0x10000] =	vst v63  }
0x244: {  	s18 =	smov.u32 s25;
	s1 =	smov.u32 s28  }
0x245: {  	s8 =	sadd.s32 $0x400, s28;
	s25 =	sshra.s32 s1, $0x2;
	s1 =	sadd.s32 $0x4000, s18  }
0x246: {  	[tilespmem:s1], [sflag:$0x2] =	stream.linear.gather [hbm4b:s26+s4], $0x80, $0x38;
	[tilespmem:$0x10000] =	vst v63  }
0x247: {  	p1 =	sne.s32 s28, $0x1C00;
	s28 =	sadd.s32 $0x4800, s18;
	s1 =	sadd.s32 $0x10, s26  }
0x248: {  	[tilespmem:s28], [sflag:$0x2] =	stream.linear.gather [hbm4b:s1+s4], $0x80, $0x38;
	[tilespmem:$0x10000] =	vst v63  }
0x249: {  	s1 =	sadd.s32 $0x20, s26;
	s28 =	sadd.s32 $0x5000, s18  }
0x24a: {  	[tilespmem:s28], [sflag:$0x2] =	stream.linear.gather [hbm4b:s1+s4], $0x80, $0x38;
	[tilespmem:$0x10000] =	vst v63  }
0x24b: {  	s1 =	sadd.s32 $0x30, s26;
	s28 =	sadd.s32 $0x5800, s18  }
0x24c: {  	[tilespmem:s28], [sflag:$0x2] =	stream.linear.gather [hbm4b:s1+s4], $0x80, $0x38;
	[tilespmem:$0x10000] =	vst v63  }
0x24d: {  	s1 =	sadd.s32 $0x40, s26;
	s28 =	sadd.s32 $0x6000, s18  }
0x24e: {  	[tilespmem:s28], [sflag:$0x2] =	stream.linear.gather [hbm4b:s1+s4], $0x80, $0x38;
	[tilespmem:$0x10000] =	vst v63  }
.Ltmp16:
0x24f: {  	s1 =	sadd.s32 $0x50, s26;
	s28 =	sadd.s32 $0x6800, s18;
	(pc) =	sbr.rel @p1 .LBB2_26-.Ltmp16, $4  }
0x250: {  	[tilespmem:s28], [sflag:$0x2] =	stream.linear.gather [hbm4b:s1+s4], $0x80, $0x38;
	[tilespmem:$0x10000] =	vst v63  }
0x251: {  	s1 =	sadd.s32 $0x60, s26;
	s28 =	sadd.s32 $0x7000, s18;
	s18 =	sadd.s32 $0x7800, s18  }
0x252: {  	[tilespmem:s28], [sflag:$0x2] =	stream.linear.gather [hbm4b:s1+s4], $0x80, $0x38;
	[tilespmem:$0x10000] =	vst v63  }
0x253: {  	s1 =	sadd.s32 $0x70, s26;
	s26 =	sadd.s32 $0x80, s26;
	s28 =	smov.u32 s8  }
0x254: {  	[tilespmem:s18], [sflag:$0x2] =	stream.linear.gather [hbm4b:s1+s4], $0x80, $0x38;
	[tilespmem:$0x10000] =	vst v63  }
0x255: {  	s18 =	sadd.s32 $0x4000, s25  }
0x256: {  	[tilespmem:s18], [sflag:$0x2] =	stream.linear.gather [hbm4b:s26+s4], $0x80, $0x38;
	[tilespmem:$0x10000] =	vst v63  }
0x257: {  	s28 =	sadd.s32 $0x10, s26;
	s8 =	sadd.s32 $0x4800, s25  }
0x258: {  	[tilespmem:s8], [sflag:$0x2] =	stream.linear.gather [hbm4b:s28+s4], $0x80, $0x38;
	[tilespmem:$0x10000] =	vst v63  }
0x259: {  	s18 =	sadd.s32 $0x20, s26;
	s28 =	sadd.s32 $0x5000, s25  }
0x25a: {  	[tilespmem:s28], [sflag:$0x2] =	stream.linear.gather [hbm4b:s18+s4], $0x80, $0x38;
	[tilespmem:$0x10000] =	vst v63  }
0x25b: {  	s18 =	sadd.s32 $0x30, s26;
	s28 =	sadd.s32 $0x5800, s25  }
0x25c: {  	[tilespmem:s28], [sflag:$0x2] =	stream.linear.gather [hbm4b:s18+s4], $0x80, $0x38;
	[tilespmem:$0x10000] =	vst v63  }
0x25d: {  	s18 =	sadd.s32 $0x40, s26;
	s28 =	sadd.s32 $0x6000, s25  }
0x25e: {  	[tilespmem:s28], [sflag:$0x2] =	stream.linear.gather [hbm4b:s18+s4], $0x80, $0x38;
	[tilespmem:$0x10000] =	vst v63  }
0x25f: {  	s18 =	sadd.s32 $0x50, s26;
	s28 =	sadd.s32 $0x6800, s25  }
0x260: {  	[tilespmem:s28], [sflag:$0x2] =	stream.linear.gather [hbm4b:s18+s4], $0x80, $0x38;
	[tilespmem:$0x10000] =	vst v63  }
0x261: {  	s8 =	sadd.s32 $0x60, s26;
	s18 =	sadd.s32 $0x7000, s25  }
0x262: {  	[tilespmem:s18], [sflag:$0x2] =	stream.linear.gather [hbm4b:s8+s4], $0x80, $0x38;
	[tilespmem:$0x10000] =	vst v63  }
0x263: {  	s26 =	sadd.s32 $0x70, s26;
	s28 =	sadd.s32 $0x7800, s25  }
0x264: {  	[tilespmem:s28], [sflag:$0x2] =	stream.linear.gather [hbm4b:s26+s4], $0x80, $0x38;
	[tilespmem:$0x10000] =	vst v63  }
0x265: {  	s8 =	sadd.s32 $0x40000, s24;
	s18 =	simm.s32 $0x4080  }
0x266: {  	[tilespmem:s18], [sflag:$0x2] =	stream.linear.gather [hbm4b:s8+s4], $0x80, $0x38;
	[tilespmem:$0x10000] =	vst v63  }
0x267: {  	s25 =	simm.s32 $0x4880;
	s24 =	sadd.s32 $0x10, s8  }
0x268: {  	[tilespmem:s25], [sflag:$0x2] =	stream.linear.gather [hbm4b:s24+s4], $0x80, $0x38;
	[tilespmem:$0x10000] =	vst v63  }
0x269: {  	s26 =	sadd.s32 $0x20, s8;
	s28 =	simm.s32 $0x5080  }
0x26a: {  	[tilespmem:s28], [sflag:$0x2] =	stream.linear.gather [hbm4b:s26+s4], $0x80, $0x38;
	[tilespmem:$0x10000] =	vst v63  }
0x26b: {  	s24 =	sadd.s32 $0x30, s8;
	s25 =	simm.s32 $0x5880  }
0x26c: {  	[tilespmem:s25], [sflag:$0x2] =	stream.linear.gather [hbm4b:s24+s4], $0x80, $0x38;
	[tilespmem:$0x10000] =	vst v63  }
0x26d: {  	s26 =	sadd.s32 $0x40, s8;
	s28 =	simm.s32 $0x6080  }
0x26e: {  	[tilespmem:s28], [sflag:$0x2] =	stream.linear.gather [hbm4b:s26+s4], $0x80, $0x38;
	[tilespmem:$0x10000] =	vst v63  }
0x26f: {  	s1 =	sadd.s32 $0x70, s8;
	s24 =	sadd.s32 $0x50, s8;
	s25 =	simm.s32 $0x6880  }
0x270: {  	[tilespmem:s25], [sflag:$0x2] =	stream.linear.gather [hbm4b:s24+s4], $0x80, $0x38;
	[tilespmem:$0x10000] =	vst v63  }
0x271: {  	s18 =	simm.s32 $0x7880;
	s26 =	sadd.s32 $0x60, s8;
	s28 =	simm.s32 $0x7080  }
0x272: {  	[tilespmem:s28], [sflag:$0x2] =	stream.linear.gather [hbm4b:s26+s4], $0x80, $0x38;
	[tilespmem:$0x10000] =	vst v63  }
0x273: {  	s24 =	simm.s32 $0x100;
	s25 =	sadd.s32 $0x80, s8;
	s26 =	simm.s32 $0x800  }
.LBB2_28:
0x274: {  	[tilespmem:s18], [sflag:$0x2] =	stream.linear.gather [hbm4b:s1+s4], $0x80, $0x38;
	[tilespmem:$0x10000] =	vst v63  }
0x275: {  	s8 =	smov.u32 s24;
	s1 =	smov.u32 s26  }
0x276: {  	s28 =	sadd.s32 $0x400, s26;
	s24 =	sshra.s32 s1, $0x2;
	s1 =	sadd.s32 $0x4080, s8  }
0x277: {  	[tilespmem:s1], [sflag:$0x2] =	stream.linear.gather [hbm4b:s25+s4], $0x80, $0x38;
	[tilespmem:$0x10000] =	vst v63  }
0x278: {  	p1 =	sne.s32 s26, $0x1C00;
	s18 =	sadd.s32 $0x4880, s8;
	s1 =	sadd.s32 $0x10, s25  }
0x279: {  	[tilespmem:s18], [sflag:$0x2] =	stream.linear.gather [hbm4b:s1+s4], $0x80, $0x38;
	[tilespmem:$0x10000] =	vst v63  }
0x27a: {  	s1 =	sadd.s32 $0x20, s25;
	s18 =	sadd.s32 $0x5080, s8  }
0x27b: {  	[tilespmem:s18], [sflag:$0x2] =	stream.linear.gather [hbm4b:s1+s4], $0x80, $0x38;
	[tilespmem:$0x10000] =	vst v63  }
0x27c: {  	s1 =	sadd.s32 $0x30, s25;
	s18 =	sadd.s32 $0x5880, s8  }
0x27d: {  	[tilespmem:s18], [sflag:$0x2] =	stream.linear.gather [hbm4b:s1+s4], $0x80, $0x38;
	[tilespmem:$0x10000] =	vst v63  }
0x27e: {  	s1 =	sadd.s32 $0x40, s25;
	s18 =	sadd.s32 $0x6080, s8  }
0x27f: {  	[tilespmem:s18], [sflag:$0x2] =	stream.linear.gather [hbm4b:s1+s4], $0x80, $0x38;
	[tilespmem:$0x10000] =	vst v63  }
.Ltmp17:
0x280: {  	s1 =	sadd.s32 $0x50, s25;
	s18 =	sadd.s32 $0x6880, s8;
	(pc) =	sbr.rel @p1 .LBB2_28-.Ltmp17, $4  }
0x281: {  	[tilespmem:s18], [sflag:$0x2] =	stream.linear.gather [hbm4b:s1+s4], $0x80, $0x38;
	[tilespmem:$0x10000] =	vst v63  }
0x282: {  	s26 =	smov.u32 s28;
	s1 =	sadd.s32 $0x60, s25;
	s18 =	sadd.s32 $0x7080, s8  }
0x283: {  	[tilespmem:s18], [sflag:$0x2] =	stream.linear.gather [hbm4b:s1+s4], $0x80, $0x38;
	[tilespmem:$0x10000] =	vst v63  }
0x284: {  	s1 =	sadd.s32 $0x70, s25;
	s18 =	sadd.s32 $0x7880, s8;
	s25 =	sadd.s32 $0x80, s25  }
0x285: {  	[tilespmem:s18], [sflag:$0x2] =	stream.linear.gather [hbm4b:s1+s4], $0x80, $0x38;
	[tilespmem:$0x10000] =	vst v63  }
0x286: {  	s26 =	sadd.s32 $0x4080, s24  }
0x287: {  	[tilespmem:s26], [sflag:$0x2] =	stream.linear.gather [hbm4b:s25+s4], $0x80, $0x38;
	[tilespmem:$0x10000] =	vst v63  }
0x288: {  	s28 =	sadd.s32 $0x10, s25;
	s8 =	sadd.s32 $0x4880, s24  }
0x289: {  	[tilespmem:s8], [sflag:$0x2] =	stream.linear.gather [hbm4b:s28+s4], $0x80, $0x38;
	[tilespmem:$0x10000] =	vst v63  }
0x28a: {  	s18 =	sadd.s32 $0x5080, s24;
	s8 =	sadd.s32 $0x20, s25  }
0x28b: {  	[tilespmem:s18], [sflag:$0x2] =	stream.linear.gather [hbm4b:s8+s4], $0x80, $0x38;
	[tilespmem:$0x10000] =	vst v63  }
0x28c: {  	s26 =	sadd.s32 $0x30, s25;
	s28 =	sadd.s32 $0x5880, s24  }
0x28d: {  	[tilespmem:s28], [sflag:$0x2] =	stream.linear.gather [hbm4b:s26+s4], $0x80, $0x38;
	[tilespmem:$0x10000] =	vst v63  }
0x28e: {  	s8 =	sadd.s32 $0x40, s25;
	s18 =	sadd.s32 $0x6080, s24  }
0x28f: {  	[tilespmem:s18], [sflag:$0x2] =	stream.linear.gather [hbm4b:s8+s4], $0x80, $0x38;
	[tilespmem:$0x10000] =	vst v63  }
0x290: {  	s26 =	sadd.s32 $0x50, s25;
	s28 =	sadd.s32 $0x6880, s24  }
0x291: {  	[tilespmem:s28], [sflag:$0x2] =	stream.linear.gather [hbm4b:s26+s4], $0x80, $0x38;
	[tilespmem:$0x10000] =	vst v63  }
0x292: {  	s8 =	sadd.s32 $0x60, s25;
	s18 =	sadd.s32 $0x7080, s24  }
0x293: {  	[tilespmem:s18], [sflag:$0x2] =	stream.linear.gather [hbm4b:s8+s4], $0x80, $0x38;
	[tilespmem:$0x10000] =	vst v63  }
0x294: {  	s26 =	sadd.s32 $0x70, s25;
	s28 =	sadd.s32 $0x7880, s24  }
0x295: {  	[tilespmem:s28], [sflag:$0x2] =	stream.linear.gather [hbm4b:s26+s4], $0x80, $0x38;
	[tilespmem:$0x10000] =	vst v63  }
.LBB2_30:
0x296: {  	_ =	swait.ge [sflag:s15], $0x2000  }
0x297: {  	[sflag:s15] =	ssyncset.done $0x0  }
0x298: {  	[sflag:s15] =	ssyncadd.s32 $0xFFFFE000  }
0x299: {  	s1 =	sadd.s32 $0x8000, s23;
	_ =	swait.ge [sflag:s15], $0x2000  }
0x29a: {  	s1 =	sshrl.u32 s1, $0x3;
	[sflag:s15] =	ssyncset.done $0x0  }
0x29b: {  	s8 =	simm.s32 $0x8000;
	s1 =	sadd.s32 s3, s1;
	[sflag:s15] =	ssyncadd.s32 $0xFFFFE000  }
0x29c: {  	[hbm4b:s1+s20] =	stream.strided.scatter [tilespmem:s8], [sflag:$0x7], $0x800, s21, s20, $0x38;
	[tilespmem:$0x10000] =	vst v63  }
0x29d: {  	s18 =	simm.s32 $0x8800;
	s28 =	sadd.s32 $0x20, s1  }
0x29e: {  	[hbm4b:s28+s20] =	stream.strided.scatter [tilespmem:s18], [sflag:$0x7], $0x800, s21, s20, $0x38;
	[tilespmem:$0x10000] =	vst v63  }
0x29f: {  	s23 =	simm.s32 $0x9000;
	s18 =	sadd.s32 $0x40, s1  }
0x2a0: {  	[hbm4b:s18+s20] =	stream.strided.scatter [tilespmem:s23], [sflag:$0x7], $0x800, s21, s20, $0x38;
	[tilespmem:$0x10000] =	vst v63  }
0x2a1: {  	s25 =	simm.s32 $0x9800;
	s24 =	sadd.s32 $0x60, s1  }
0x2a2: {  	[hbm4b:s24+s20] =	stream.strided.scatter [tilespmem:s25], [sflag:$0x7], $0x800, s21, s20, $0x38;
	[tilespmem:$0x10000] =	vst v63  }
0x2a3: {  	s26 =	sadd.s32 $0x400, s1;
	s28 =	simm.s32 $0xA000  }
0x2a4: {  	[hbm4b:s26+s20] =	stream.strided.scatter [tilespmem:s28], [sflag:$0x7], $0x800, s21, s20, $0x38;
	[tilespmem:$0x10000] =	vst v63  }
0x2a5: {  	s23 =	sadd.s32 $0x420, s1;
	s24 =	simm.s32 $0xA800  }
0x2a6: {  	[hbm4b:s23+s20] =	stream.strided.scatter [tilespmem:s24], [sflag:$0x7], $0x800, s21, s20, $0x38;
	[tilespmem:$0x10000] =	vst v63  }
0x2a7: {  	s25 =	sadd.s32 $0x440, s1;
	s26 =	simm.s32 $0xB000  }
0x2a8: {  	[hbm4b:s25+s20] =	stream.strided.scatter [tilespmem:s26], [sflag:$0x7], $0x800, s21, s20, $0x38;
	[tilespmem:$0x10000] =	vst v63  }
.Ltmp18:
0x2a9: {  	s1 =	sadd.s32 $0x460, s1;
	s28 =	simm.s32 $0xB800;
	(pc) =	sbr.rel @p0 .LBB2_36-.Ltmp18, $4  }
0x2aa: {  	[hbm4b:s1+s20] =	stream.strided.scatter [tilespmem:s28], [sflag:$0x7], $0x800, s21, s20, $0x38;
	[tilespmem:$0x10000] =	vst v63  }
0x2ab: {  	_ =	swait.ge [sflag:s29], $0x4000  }
0x2ac: {  	[sflag:s29] =	ssyncset.done $0x0  }
0x2ad: {  	[sflag:s29] =	ssyncadd.s32 $0xFFFFC000  }
0x2ae: {  	s1 =	sshll.u32 s17, $0xF;
	s8 =	rddreg [dreg:$0xb]  }
0x2af: {  	s1 =	sadd.s32 s1, s8  }
0x2b0: {  	s1 =	sshrl.u32 s1, $0x3  }
0x2b1: {  	s28 =	simm.s32 $0x8000;
	s23 =	sadd.s32 s2, s1  }
0x2b2: {  	[tilespmem:s28], [sflag:$0x3] =	stream.linear.gather [hbm4b:s23+s4], $0x80, $0x38;
	[tilespmem:$0x10000] =	vst v63  }
0x2b3: {  	s18 =	simm.s32 $0x8800;
	s8 =	sadd.s32 $0x10, s23  }
0x2b4: {  	[tilespmem:s18], [sflag:$0x3] =	stream.linear.gather [hbm4b:s8+s4], $0x80, $0x38;
	[tilespmem:$0x10000] =	vst v63  }
0x2b5: {  	s25 =	simm.s32 $0x9000;
	s24 =	sadd.s32 $0x20, s23  }
0x2b6: {  	[tilespmem:s25], [sflag:$0x3] =	stream.linear.gather [hbm4b:s24+s4], $0x80, $0x38;
	[tilespmem:$0x10000] =	vst v63  }
0x2b7: {  	s26 =	sadd.s32 $0x30, s23;
	s28 =	simm.s32 $0x9800  }
0x2b8: {  	[tilespmem:s28], [sflag:$0x3] =	stream.linear.gather [hbm4b:s26+s4], $0x80, $0x38;
	[tilespmem:$0x10000] =	vst v63  }
0x2b9: {  	s8 =	sadd.s32 $0x40, s23;
	s18 =	simm.s32 $0xA000  }
0x2ba: {  	[tilespmem:s18], [sflag:$0x3] =	stream.linear.gather [hbm4b:s8+s4], $0x80, $0x38;
	[tilespmem:$0x10000] =	vst v63  }
0x2bb: {  	s1 =	sadd.s32 $0x70, s23;
	s24 =	sadd.s32 $0x50, s23;
	s25 =	simm.s32 $0xA800  }
0x2bc: {  	[tilespmem:s25], [sflag:$0x3] =	stream.linear.gather [hbm4b:s24+s4], $0x80, $0x38;
	[tilespmem:$0x10000] =	vst v63  }
0x2bd: {  	s26 =	sadd.s32 $0x60, s23;
	s28 =	simm.s32 $0xB000;
	s18 =	simm.s32 $0xB800  }
0x2be: {  	[tilespmem:s28], [sflag:$0x3] =	stream.linear.gather [hbm4b:s26+s4], $0x80, $0x38;
	[tilespmem:$0x10000] =	vst v63  }
0x2bf: {  	s24 =	simm.s32 $0x100;
	s25 =	sadd.s32 $0x80, s23;
	s26 =	simm.s32 $0x800  }
.LBB2_32:
0x2c0: {  	[tilespmem:s18], [sflag:$0x3] =	stream.linear.gather [hbm4b:s1+s4], $0x80, $0x38;
	[tilespmem:$0x10000] =	vst v63  }
0x2c1: {  	s8 =	smov.u32 s24;
	s1 =	smov.u32 s26  }
0x2c2: {  	s28 =	sadd.s32 $0x400, s26;
	s24 =	sshra.s32 s1, $0x2;
	s1 =	sadd.s32 $0x8000, s8  }
0x2c3: {  	[tilespmem:s1], [sflag:$0x3] =	stream.linear.gather [hbm4b:s25+s4], $0x80, $0x38;
	[tilespmem:$0x10000] =	vst v63  }
0x2c4: {  	p0 =	sne.s32 s26, $0x1C00;
	s18 =	sadd.s32 $0x8800, s8;
	s1 =	sadd.s32 $0x10, s25  }
0x2c5: {  	[tilespmem:s18], [sflag:$0x3] =	stream.linear.gather [hbm4b:s1+s4], $0x80, $0x38;
	[tilespmem:$0x10000] =	vst v63  }
0x2c6: {  	s1 =	sadd.s32 $0x20, s25;
	s18 =	sadd.s32 $0x9000, s8  }
0x2c7: {  	[tilespmem:s18], [sflag:$0x3] =	stream.linear.gather [hbm4b:s1+s4], $0x80, $0x38;
	[tilespmem:$0x10000] =	vst v63  }
0x2c8: {  	s1 =	sadd.s32 $0x30, s25;
	s18 =	sadd.s32 $0x9800, s8  }
0x2c9: {  	[tilespmem:s18], [sflag:$0x3] =	stream.linear.gather [hbm4b:s1+s4], $0x80, $0x38;
	[tilespmem:$0x10000] =	vst v63  }
0x2ca: {  	s1 =	sadd.s32 $0x40, s25;
	s18 =	sadd.s32 $0xA000, s8  }
0x2cb: {  	[tilespmem:s18], [sflag:$0x3] =	stream.linear.gather [hbm4b:s1+s4], $0x80, $0x38;
	[tilespmem:$0x10000] =	vst v63  }
.Ltmp19:
0x2cc: {  	s1 =	sadd.s32 $0x50, s25;
	s18 =	sadd.s32 $0xA800, s8;
	(pc) =	sbr.rel @p0 .LBB2_32-.Ltmp19, $4  }
0x2cd: {  	[tilespmem:s18], [sflag:$0x3] =	stream.linear.gather [hbm4b:s1+s4], $0x80, $0x38;
	[tilespmem:$0x10000] =	vst v63  }
0x2ce: {  	s26 =	smov.u32 s28;
	s1 =	sadd.s32 $0x60, s25;
	s18 =	sadd.s32 $0xB000, s8  }
0x2cf: {  	[tilespmem:s18], [sflag:$0x3] =	stream.linear.gather [hbm4b:s1+s4], $0x80, $0x38;
	[tilespmem:$0x10000] =	vst v63  }
0x2d0: {  	s1 =	sadd.s32 $0x70, s25;
	s18 =	sadd.s32 $0xB800, s8;
	s25 =	sadd.s32 $0x80, s25  }
0x2d1: {  	[tilespmem:s18], [sflag:$0x3] =	stream.linear.gather [hbm4b:s1+s4], $0x80, $0x38;
	[tilespmem:$0x10000] =	vst v63  }
0x2d2: {  	s26 =	sadd.s32 $0x8000, s24  }
0x2d3: {  	[tilespmem:s26], [sflag:$0x3] =	stream.linear.gather [hbm4b:s25+s4], $0x80, $0x38;
	[tilespmem:$0x10000] =	vst v63  }
0x2d4: {  	s28 =	sadd.s32 $0x10, s25;
	s8 =	sadd.s32 $0x8800, s24  }
0x2d5: {  	[tilespmem:s8], [sflag:$0x3] =	stream.linear.gather [hbm4b:s28+s4], $0x80, $0x38;
	[tilespmem:$0x10000] =	vst v63  }
0x2d6: {  	s18 =	sadd.s32 $0x9000, s24;
	s8 =	sadd.s32 $0x20, s25  }
0x2d7: {  	[tilespmem:s18], [sflag:$0x3] =	stream.linear.gather [hbm4b:s8+s4], $0x80, $0x38;
	[tilespmem:$0x10000] =	vst v63  }
0x2d8: {  	s26 =	sadd.s32 $0x30, s25;
	s28 =	sadd.s32 $0x9800, s24  }
0x2d9: {  	[tilespmem:s28], [sflag:$0x3] =	stream.linear.gather [hbm4b:s26+s4], $0x80, $0x38;
	[tilespmem:$0x10000] =	vst v63  }
0x2da: {  	s8 =	sadd.s32 $0x40, s25;
	s18 =	sadd.s32 $0xA000, s24  }
0x2db: {  	[tilespmem:s18], [sflag:$0x3] =	stream.linear.gather [hbm4b:s8+s4], $0x80, $0x38;
	[tilespmem:$0x10000] =	vst v63  }
0x2dc: {  	s26 =	sadd.s32 $0x50, s25;
	s28 =	sadd.s32 $0xA800, s24  }
0x2dd: {  	[tilespmem:s28], [sflag:$0x3] =	stream.linear.gather [hbm4b:s26+s4], $0x80, $0x38;
	[tilespmem:$0x10000] =	vst v63  }
0x2de: {  	s8 =	sadd.s32 $0x60, s25;
	s18 =	sadd.s32 $0xB000, s24  }
0x2df: {  	[tilespmem:s18], [sflag:$0x3] =	stream.linear.gather [hbm4b:s8+s4], $0x80, $0x38;
	[tilespmem:$0x10000] =	vst v63  }
0x2e0: {  	s25 =	sadd.s32 $0x70, s25;
	s26 =	sadd.s32 $0xB800, s24  }
0x2e1: {  	[tilespmem:s26], [sflag:$0x3] =	stream.linear.gather [hbm4b:s25+s4], $0x80, $0x38;
	[tilespmem:$0x10000] =	vst v63  }
0x2e2: {  	s28 =	simm.s32 $0x8080;
	s8 =	sadd.s32 $0x40000, s23  }
0x2e3: {  	[tilespmem:s28], [sflag:$0x3] =	stream.linear.gather [hbm4b:s8+s4], $0x80, $0x38;
	[tilespmem:$0x10000] =	vst v63  }
0x2e4: {  	s23 =	simm.s32 $0x8880;
	s18 =	sadd.s32 $0x10, s8  }
0x2e5: {  	[tilespmem:s23], [sflag:$0x3] =	stream.linear.gather [hbm4b:s18+s4], $0x80, $0x38;
	[tilespmem:$0x10000] =	vst v63  }
0x2e6: {  	s24 =	sadd.s32 $0x20, s8;
	s1 =	sadd.s32 $0x70, s8;
	s25 =	simm.s32 $0x9080  }
0x2e7: {  	[tilespmem:s25], [sflag:$0x3] =	stream.linear.gather [hbm4b:s24+s4], $0x80, $0x38;
	[tilespmem:$0x10000] =	vst v63  }
0x2e8: {  	s26 =	sadd.s32 $0x30, s8;
	s28 =	simm.s32 $0x9880;
	s18 =	sadd.s32 $0x40, s8  }
0x2e9: {  	[tilespmem:s28], [sflag:$0x3] =	stream.linear.gather [hbm4b:s26+s4], $0x80, $0x38;
	[tilespmem:$0x10000] =	vst v63  }
0x2ea: {  	s23 =	simm.s32 $0xA080;
	s24 =	sadd.s32 $0x50, s8;
	s25 =	simm.s32 $0xA880  }
0x2eb: {  	[tilespmem:s23], [sflag:$0x3] =	stream.linear.gather [hbm4b:s18+s4], $0x80, $0x38;
	[tilespmem:$0x10000] =	vst v63  }
0x2ec: {  	s26 =	sadd.s32 $0x60, s8;
	s28 =	simm.s32 $0xB080;
	s23 =	simm.s32 $0x100  }
0x2ed: {  	[tilespmem:s25], [sflag:$0x3] =	stream.linear.gather [hbm4b:s24+s4], $0x80, $0x38;
	[tilespmem:$0x10000] =	vst v63  }
0x2ee: {  	s18 =	simm.s32 $0xB880;
	s25 =	simm.s32 $0x800;
	s24 =	sadd.s32 $0x80, s8  }
0x2ef: {  	[tilespmem:s28], [sflag:$0x3] =	stream.linear.gather [hbm4b:s26+s4], $0x80, $0x38;
	[tilespmem:$0x10000] =	vst v63  }
.LBB2_34:
0x2f0: {  	[tilespmem:s18], [sflag:$0x3] =	stream.linear.gather [hbm4b:s1+s4], $0x80, $0x38;
	[tilespmem:$0x10000] =	vst v63  }
0x2f1: {  	s8 =	smov.u32 s23;
	s1 =	smov.u32 s25  }
0x2f2: {  	s26 =	sadd.s32 $0x400, s25;
	s23 =	sshra.s32 s1, $0x2;
	s1 =	sadd.s32 $0x8080, s8  }
0x2f3: {  	[tilespmem:s1], [sflag:$0x3] =	stream.linear.gather [hbm4b:s24+s4], $0x80, $0x38;
	[tilespmem:$0x10000] =	vst v63  }
0x2f4: {  	p0 =	sne.s32 s25, $0x1C00;
	s18 =	sadd.s32 $0x8880, s8;
	s1 =	sadd.s32 $0x10, s24  }
0x2f5: {  	[tilespmem:s18], [sflag:$0x3] =	stream.linear.gather [hbm4b:s1+s4], $0x80, $0x38;
	[tilespmem:$0x10000] =	vst v63  }
0x2f6: {  	s1 =	sadd.s32 $0x20, s24;
	s18 =	sadd.s32 $0x9080, s8  }
0x2f7: {  	[tilespmem:s18], [sflag:$0x3] =	stream.linear.gather [hbm4b:s1+s4], $0x80, $0x38;
	[tilespmem:$0x10000] =	vst v63  }
0x2f8: {  	s1 =	sadd.s32 $0x30, s24;
	s18 =	sadd.s32 $0x9880, s8  }
0x2f9: {  	[tilespmem:s18], [sflag:$0x3] =	stream.linear.gather [hbm4b:s1+s4], $0x80, $0x38;
	[tilespmem:$0x10000] =	vst v63  }
0x2fa: {  	s1 =	sadd.s32 $0x40, s24;
	s18 =	sadd.s32 $0xA080, s8  }
0x2fb: {  	[tilespmem:s18], [sflag:$0x3] =	stream.linear.gather [hbm4b:s1+s4], $0x80, $0x38;
	[tilespmem:$0x10000] =	vst v63  }
.Ltmp20:
0x2fc: {  	s1 =	sadd.s32 $0x50, s24;
	s18 =	sadd.s32 $0xA880, s8;
	(pc) =	sbr.rel @p0 .LBB2_34-.Ltmp20, $4  }
0x2fd: {  	[tilespmem:s18], [sflag:$0x3] =	stream.linear.gather [hbm4b:s1+s4], $0x80, $0x38;
	[tilespmem:$0x10000] =	vst v63  }
0x2fe: {  	s25 =	smov.u32 s26;
	s1 =	sadd.s32 $0x60, s24;
	s18 =	sadd.s32 $0xB080, s8  }
0x2ff: {  	[tilespmem:s18], [sflag:$0x3] =	stream.linear.gather [hbm4b:s1+s4], $0x80, $0x38;
	[tilespmem:$0x10000] =	vst v63  }
0x300: {  	s1 =	sadd.s32 $0x70, s24;
	s18 =	sadd.s32 $0xB880, s8;
	s24 =	sadd.s32 $0x80, s24  }
0x301: {  	[tilespmem:s18], [sflag:$0x3] =	stream.linear.gather [hbm4b:s1+s4], $0x80, $0x38;
	[tilespmem:$0x10000] =	vst v63  }
0x302: {  	s26 =	sadd.s32 $0x8080, s23  }
0x303: {  	[tilespmem:s26], [sflag:$0x3] =	stream.linear.gather [hbm4b:s24+s4], $0x80, $0x38;
	[tilespmem:$0x10000] =	vst v63  }
0x304: {  	s28 =	sadd.s32 $0x10, s24;
	s8 =	sadd.s32 $0x8880, s23  }
0x305: {  	[tilespmem:s8], [sflag:$0x3] =	stream.linear.gather [hbm4b:s28+s4], $0x80, $0x38;
	[tilespmem:$0x10000] =	vst v63  }
0x306: {  	s18 =	sadd.s32 $0x20, s24;
	s25 =	sadd.s32 $0x9080, s23  }
0x307: {  	[tilespmem:s25], [sflag:$0x3] =	stream.linear.gather [hbm4b:s18+s4], $0x80, $0x38;
	[tilespmem:$0x10000] =	vst v63  }
0x308: {  	s26 =	sadd.s32 $0x30, s24;
	s28 =	sadd.s32 $0x9880, s23  }
0x309: {  	[tilespmem:s28], [sflag:$0x3] =	stream.linear.gather [hbm4b:s26+s4], $0x80, $0x38;
	[tilespmem:$0x10000] =	vst v63  }
0x30a: {  	s18 =	sadd.s32 $0x40, s24;
	s25 =	sadd.s32 $0xA080, s23  }
0x30b: {  	[tilespmem:s25], [sflag:$0x3] =	stream.linear.gather [hbm4b:s18+s4], $0x80, $0x38;
	[tilespmem:$0x10000] =	vst v63  }
0x30c: {  	s26 =	sadd.s32 $0x50, s24;
	s28 =	sadd.s32 $0xA880, s23  }
0x30d: {  	[tilespmem:s28], [sflag:$0x3] =	stream.linear.gather [hbm4b:s26+s4], $0x80, $0x38;
	[tilespmem:$0x10000] =	vst v63  }
.Ltmp21:
0x30e: {  	_ = 	snop;
	(pc) =	sbr.rel .LBB2_36-.Ltmp21, $4  }
0x30f: {  	s18 =	sadd.s32 $0x60, s24;
	s25 =	sadd.s32 $0xB080, s23  }
0x310: {  	[tilespmem:s25], [sflag:$0x3] =	stream.linear.gather [hbm4b:s18+s4], $0x80, $0x38;
	[tilespmem:$0x10000] =	vst v63  }
0x311: {  	s26 =	sadd.s32 $0x70, s24;
	s28 =	sadd.s32 $0xB880, s23  }
0x312: {  	[tilespmem:s28], [sflag:$0x3] =	stream.linear.gather [hbm4b:s26+s4], $0x80, $0x38;
	[tilespmem:$0x10000] =	vst v63  }
.LBB2_38:
0x313: {  	_ =	sfence.sel $0x180000  }
0x314: {  	[bflag:$0x0] =	sbarrier.arrive $0xFFFF  }
0x315: {  	_ =	strace $0x90000047  }
0x316: {  	s0 =	stileid.u32;
	[bflag:$0x2] =	sbarrier.arrive $0xFFFF  }
0x317: {  	p0 =	sne.s32 s0, $0x0;
	s0 =	rddreg [dreg:$0x2]  }
0x318: {  	s0 =	sadd.s32 @!p0 $0x100000, s0  }
0x319: {  	[sflag:s0] =	ssyncadd.tile.s32 @!p0 $0x1;
	_ =	shalt  }
.Lfunc_end2:
_tile_overlayer_lowered:
.L_overlay_start_2:
0x31a: {  	(tag) =	ssettag $0x2  }
0x31b: {  	s0 =	rddreg [dreg:$0x0];
	s2 =	stileid.u32  }
0x31c: {  	s1 =	rddreg [dreg:$0x1];
	p0 =	sne.s32 s2, $0x0  }
0x31d: {  	s3 =	rddreg [dreg:$0x2];
	[bflag:$0x3] =	sbarrier.arrive $0xFFFF;
	s2 =	simm.s32 @!p0 $0x1C09  }
0x31e: {  	[timem:s3], [sflag:s2] =	dma.local @!p0 [hbm:s0], s1  }
0x31f: {  	s0 =	simm.s32 @!p0 $0x9  }
0x320: {  	_ =	swait.ge @!p0 [sflag:s0], s1  }
0x321: {  	s1 =	ssub.s32 @!p0 $0x0, s1;
	[sflag:s0] =	ssyncset.done @!p0 $0x0  }
0x322: {  	[sflag:s0] =	ssyncadd.s32 @!p0 s1  }
0x323: {  	[bflag:$0x3] =	sbarrier.arrive $0xFFFF  }
0x324: {  	_ =	shalt  }

</sc_bundles>
